<compile_context>
chip_gen: v7x
topology: tpu7x:2x2x1
jax: 0.10.2.dev20260603
libtpu: 0.0.44.dev20260713+nightly
codegen_flags: <defaults>
</compile_context>

<pallas_src>
import jax
import jax.numpy as jnp
from jax import lax
from jax.experimental import pallas as pl
from jax.experimental.pallas import tpu as pltpu
from jax.experimental.pallas import tpu_sc as plsc

N = 10000
E = 160000
D = 256
HALF = 128
NA = 128

_NC = 2
_NS = 16
_EPT = E // _NS
_CHUNK = 80
_NCHUNK = _EPT // _CHUNK
_RPT = 624
_TAIL = N - _RPT * _NS

_EPW = E // (_NC * _NS)
_DCHUNK = 40
_DNCH = _EPW // _DCHUNK


def _zero_fill(zbuf):
    def zfill(k, _):
        zbuf[k // 8, pl.ds((k % 8) * 16, 16)] = jnp.zeros((16,), jnp.float32)
        return 0
    lax.fori_loop(0, 16 * 8, zfill, 0)


def _zero_spmem(zbuf, sh_ref, s):
    r0 = s * _RPT

    def zacc(j, _):
        pltpu.sync_copy(zbuf, sh_ref.at[pl.ds(r0 + j * 16, 16)])
        return 0
    lax.fori_loop(0, _RPT // 16, zacc, 0)

    @pl.when(s == 0)
    def _():
        pltpu.sync_copy(zbuf, sh_ref.at[pl.ds(_RPT * _NS, _TAIL)])


def _writeback(sh_ref, out_hbm, s, row_off):
    r0 = s * _RPT
    pltpu.sync_copy(sh_ref.at[pl.ds(r0, _RPT)],
                    out_hbm.at[pl.ds(row_off + r0, _RPT)])

    @pl.when(s == 0)
    def _():
        pltpu.sync_copy(sh_ref.at[pl.ds(_RPT * _NS, _TAIL)],
                        out_hbm.at[pl.ds(row_off + _RPT * _NS, _TAIL)])


def _sc_agg_body(h_hbm, src_hbm, dst_hbm, agg_hbm,
                 acc_sh, src_v, dst_v, rows_v, zbuf, sem):
    c = lax.axis_index("c")
    s = lax.axis_index("s")

    _zero_fill(zbuf)
    _zero_spmem(zbuf, acc_sh, s)
    plsc.subcore_barrier()

    e0 = s * _EPT
    c_off = c * N

    def step(i, _):
        base = e0 + i * _CHUNK
        pltpu.sync_copy(src_hbm.at[pl.ds(base, _CHUNK)], src_v)
        pltpu.sync_copy(dst_hbm.at[pl.ds(base, _CHUNK)], dst_v)
        for j in range(_CHUNK // 16):
            src_v[pl.ds(j * 16, 16)] = src_v[pl.ds(j * 16, 16)] + c_off
        pltpu.async_copy(h_hbm.at[src_v], rows_v, sem).wait()
        pltpu.sync_copy(rows_v, acc_sh.at[dst_v], add=True)
        return 0
    lax.fori_loop(0, _NCHUNK, step, 0)

    plsc.subcore_barrier()
    _writeback(acc_sh, agg_hbm, s, c_off)


import functools


@functools.cache
def _get_sc_agg():
    mesh = plsc.VectorSubcoreMesh(core_axis_name="c", subcore_axis_name="s",
                                  num_cores=_NC, num_subcores=_NS)
    return pl.kernel(
        _sc_agg_body,
        out_type=jax.ShapeDtypeStruct((_NC * N, HALF), jnp.float32),
        mesh=mesh,
        scratch_types=[
            pltpu.VMEM_SHARED((N, HALF), jnp.float32),
            pltpu.VMEM((_CHUNK,), jnp.int32),
            pltpu.VMEM((_CHUNK,), jnp.int32),
            pltpu.VMEM((_CHUNK, HALF), jnp.float32),
            pltpu.VMEM((16, HALF), jnp.float32),
            pltpu.SemaphoreType.DMA,
        ],
        name="sc_segment_sum",
    )


def _sc_deg_body(dst_hbm, deg_hbm, deg_sh, dst_v, ones_v, zbuf, sem):
    c = lax.axis_index("c")
    s = lax.axis_index("s")

    _zero_fill(zbuf)

    def ofill(k, _):
        ones_v[k // 8, pl.ds((k % 8) * 16, 16)] = jnp.ones((16,), jnp.float32)
        return 0
    lax.fori_loop(0, _DCHUNK * 8, ofill, 0)

    _zero_spmem(zbuf, deg_sh, s)
    plsc.subcore_barrier()

    e0 = (c * _NS + s) * _EPW

    def step(i, _):
        base = e0 + i * _DCHUNK
        pltpu.sync_copy(dst_hbm.at[pl.ds(base, _DCHUNK)], dst_v)
        pltpu.sync_copy(ones_v, deg_sh.at[dst_v], add=True)
        return 0
    lax.fori_loop(0, _DNCH, step, 0)

    plsc.subcore_barrier()
    _writeback(deg_sh, deg_hbm, s, c * N)


@functools.cache
def _get_sc_deg():
    mesh = plsc.VectorSubcoreMesh(core_axis_name="c", subcore_axis_name="s",
                                  num_cores=_NC, num_subcores=_NS)
    return pl.kernel(
        _sc_deg_body,
        out_type=jax.ShapeDtypeStruct((_NC * N, HALF), jnp.float32),
        mesh=mesh,
        scratch_types=[
            pltpu.VMEM_SHARED((N, HALF), jnp.float32),
            pltpu.VMEM((_DCHUNK,), jnp.int32),
            pltpu.VMEM((_DCHUNK, HALF), jnp.float32),
            pltpu.VMEM((16, HALF), jnp.float32),
            pltpu.SemaphoreType.DMA,
        ],
        name="sc_degree",
    )

_RB = 1000
_NRB = N // _RB


def _tc_layer_body(a0, a1, dg0, dg1, h0, h1, wm, ws, bb, out):
    dinv = 1.0 / jnp.maximum(dg0[:, 0:1] + dg1[:, 0:1], 1.0)
    a = jnp.concatenate([a0[...], a1[...]], axis=1) * dinv
    h = jnp.concatenate([h0[...], h1[...]], axis=1)
    acc = jnp.dot(a, wm[...], preferred_element_type=jnp.float32)
    acc = acc + jnp.dot(h, ws[...], preferred_element_type=jnp.float32)
    out[...] = jnp.maximum(acc + bb[...], 0.0)


def _tc_layer(agg, deg, h, Wm, Ws, b):
    b2 = b.reshape(1, D)
    return pl.pallas_call(
        _tc_layer_body,
        grid=(2, _NRB),
        in_specs=[
            pl.BlockSpec((_RB, HALF), lambda cc, r: (r, 0)),
            pl.BlockSpec((_RB, HALF), lambda cc, r: (r + _NRB, 0)),
            pl.BlockSpec((_RB, HALF), lambda cc, r: (r, 0)),
            pl.BlockSpec((_RB, HALF), lambda cc, r: (r + _NRB, 0)),
            pl.BlockSpec((_RB, HALF), lambda cc, r: (r, 0)),
            pl.BlockSpec((_RB, HALF), lambda cc, r: (r + _NRB, 0)),
            pl.BlockSpec((D, HALF), lambda cc, r: (0, cc)),
            pl.BlockSpec((D, HALF), lambda cc, r: (0, cc)),
            pl.BlockSpec((1, HALF), lambda cc, r: (0, cc)),
        ],
        out_specs=pl.BlockSpec((_RB, HALF), lambda cc, r: (cc * _NRB + r, 0)),
        out_shape=jax.ShapeDtypeStruct((_NC * N, HALF), jnp.float32),
    )(agg, agg, deg, deg, h, h, Wm, Ws, b2)


def _tc_head_body(h0, h1, wp, bp, wv, bv, out_l, out_v):
    h = jnp.concatenate([h0[...], h1[...]], axis=1)
    out_l[...] = jnp.dot(h, wp[...], preferred_element_type=jnp.float32) + bp[...]
    out_v[...] = jnp.dot(h, wv[...], preferred_element_type=jnp.float32) + bv[...]


def _tc_head(h, Wp, bp, Wv, bv):
    return pl.pallas_call(
        _tc_head_body,
        grid=(_NRB,),
        in_specs=[
            pl.BlockSpec((_RB, HALF), lambda r: (r, 0)),
            pl.BlockSpec((_RB, HALF), lambda r: (r + _NRB, 0)),
            pl.BlockSpec((D, NA), lambda r: (0, 0)),
            pl.BlockSpec((1, NA), lambda r: (0, 0)),
            pl.BlockSpec((D, 1), lambda r: (0, 0)),
            pl.BlockSpec((1, 1), lambda r: (0, 0)),
        ],
        out_specs=[
            pl.BlockSpec((_RB, NA), lambda r: (r, 0)),
            pl.BlockSpec((_RB, 1), lambda r: (r, 0)),
        ],
        out_shape=[
            jax.ShapeDtypeStruct((N, NA), jnp.float32),
            jax.ShapeDtypeStruct((N, 1), jnp.float32),
        ],
    )(h, h, Wp, bp.reshape(1, NA), Wv, bv.reshape(1, 1))


def kernel(x, edge_index, W0m, W0s, b0, W1m, W1s, b1, W2m, W2s, b2,
           Wp, bp, Wv, bv):
    src = edge_index[0]
    dst = edge_index[1]
    h = x.reshape(N, _NC, HALF).transpose(1, 0, 2).reshape(_NC * N, HALF)

    sc_deg = _get_sc_deg()
    sc_agg = _get_sc_agg()
    deg = sc_deg(dst)
    agg = sc_agg(h, src, dst)
    h = _tc_layer(agg, deg, h, W0m, W0s, b0)
    agg = sc_agg(h, src, dst)
    h = _tc_layer(agg, deg, h, W1m, W1s, b1)
    agg = sc_agg(h, src, dst)
    h = _tc_layer(agg, deg, h, W2m, W2s, b2)

    logits, value = _tc_head(h, Wp, bp, Wv, bv)
    return (logits, value)

# --- scband reference (transcript-rebuilt; emitter-appended) ---
"""Pipeline reference for scband-ppopolicy-66726611910960 (READ-ONLY COPY).

The authoritative reference and input builder live on the scoring server;
editing this copy changes nothing except your own understanding.
"""

import jax, jax.numpy as jnp
import numpy as np

N_NODES = 10000
N_EDGES = 160000
D = 256
A = 128

def _gnn_layer(h, src, dst, Wm, Ws, b):
    msgs = jnp.take(h, src, axis=0)
    agg = jax.ops.segment_sum(msgs, dst, num_segments=N_NODES)
    deg = jax.ops.segment_sum(jnp.ones((dst.shape[0], 1), dtype=h.dtype), dst, num_segments=N_NODES)
    agg = agg / jnp.maximum(deg, 1.0)
    return jax.nn.relu(agg @ Wm + h @ Ws + b)

def setup_inputs(seed: int = 0) -> dict:
    key = jax.random.key(seed)
    ks = jax.random.split(key, 16)
    s = 1.0 / np.sqrt(D)
    x = jax.random.normal(ks[0], (N_NODES, D), dtype=jnp.float32)
    edge_index = jax.random.randint(ks[1], (2, N_EDGES), 0, N_NODES, dtype=jnp.int32)
    params = {}
    for li in range(3):
        params[f'W{li}m'] = jax.random.normal(ks[2 + 2 * li], (D, D), dtype=jnp.float32) * s
        params[f'W{li}s'] = jax.random.normal(ks[3 + 2 * li], (D, D), dtype=jnp.float32) * s
        params[f'b{li}'] = jnp.zeros((D,), dtype=jnp.float32)
    params['Wp'] = jax.random.normal(ks[10], (D, A), dtype=jnp.float32) * s
    params['bp'] = jnp.zeros((A,), dtype=jnp.float32)
    params['Wv'] = jax.random.normal(ks[11], (D, 1), dtype=jnp.float32) * s
    params['bv'] = jnp.zeros((1,), dtype=jnp.float32)
    return {'x': x, 'edge_index': edge_index, **params}

def reference(x, edge_index, W0m, W0s, b0, W1m, W1s, b1, W2m, W2s, b2, Wp, bp, Wv, bv):
    src = edge_index[0]
    dst = edge_index[1]
    h = _gnn_layer(x, src, dst, W0m, W0s, b0)
    h = _gnn_layer(h, src, dst, W1m, W1s, b1)
    h = _gnn_layer(h, src, dst, W2m, W2s, b2)
    logits = h @ Wp + bp
    value = h @ Wv + bv
    return (logits, value)

if __name__ == "__main__":
    import jax
    _d = setup_inputs()
    print(jax.jit(kernel)(*tuple(_d.values())))

</pallas_src>

<mosaic_0001>
#map = affine_map<(d0, d1) -> (0, 0)>
#map1 = affine_map<(d0, d1) -> (0)>
module attributes {stable_mosaic.version = 14 : i64} {
  func.func @sc_segment_sum(%arg0: i32, %arg1: i32, %arg2: memref<20000x128xf32, #tpu.memory_space<hbm>>, %arg3: memref<160000xi32, #tpu.memory_space<hbm>>, %arg4: memref<160000xi32, #tpu.memory_space<hbm>>, %arg5: memref<20000x128xf32, #tpu.memory_space<hbm>>, %arg6: memref<10000x128xf32, #tpu.memory_space<vmem_shared>>, %arg7: memref<80xi32, #tpu.memory_space<vmem>>, %arg8: memref<80xi32, #tpu.memory_space<vmem>>, %arg9: memref<80x128xf32, #tpu.memory_space<vmem>>, %arg10: memref<16x128xf32, #tpu.memory_space<vmem>>, %arg11: memref<!tpu.dma_semaphore, #tpu.memory_space<semaphore_mem>>) attributes {dimension_semantics = [#tpu.dimension_semantics<core_parallel>, #tpu.dimension_semantics<subcore_parallel>], iteration_bounds = array<i64: 2, 16>, scalar_prefetch = 0 : i64, scratch_operands = 6 : i64, tpu.core_type = #tpu.core_type<sc_vector_subcore>, window_params = [{transform_indices = #map}, {transform_indices = #map1}, {transform_indices = #map1}, {transform_indices = #map}]} {
    %scan3A = arith.constant 0 : i32
    %scan3A_0 = arith.constant 0 : i32
    %scan3A_1 = arith.constant 128 : i32
    %scan3A_2 = arith.addi %scan3A_0, %scan3A_1 : i32
    %scan3A_3 = arith.constant 1 : i32
    %scan3A_4 = scf.for %scan3A_35 = %scan3A_0 to %scan3A_2 step %scan3A_3 iter_args(%scan3A_36 = %scan3A) -> (i32)  : i32 {
      %broadcast_in_dim3A = arith.constant 0.000000e+00 : f32
      %broadcast_in_dim3A_37 = vector.broadcast %broadcast_in_dim3A : f32 to vector<16xf32>
      %jit3A = arith.constant 8 : i32
      %div3A = arith.divsi %scan3A_35, %jit3A : i32
      %sign3A = arith.constant 0 : i32
      %sign3A_38 = arith.cmpi sgt, %scan3A_35, %sign3A : i32
      %sign3A_39 = arith.extui %sign3A_38 : i1 to i32
      %sign3A_40 = arith.constant 0 : i32
      %sign3A_41 = arith.cmpi slt, %scan3A_35, %sign3A_40 : i32
      %sign3A_42 = arith.extui %sign3A_41 : i1 to i32
      %sign3A_43 = arith.subi %sign3A_39, %sign3A_42 : i32
      %sign3A_44 = arith.constant 0 : i32
      %sign3A_45 = arith.cmpi sgt, %jit3A, %sign3A_44 : i32
      %sign3A_46 = arith.extui %sign3A_45 : i1 to i32
      %sign3A_47 = arith.constant 0 : i32
      %sign3A_48 = arith.cmpi slt, %jit3A, %sign3A_47 : i32
      %sign3A_49 = arith.extui %sign3A_48 : i1 to i32
      %sign3A_50 = arith.subi %sign3A_46, %sign3A_49 : i32
      %ne3A = arith.cmpi ne, %sign3A_43, %sign3A_50 : i32
      %rem3A = arith.remsi %scan3A_35, %jit3A : i32
      %ne3A_51 = arith.constant 0 : i32
      %ne3A_52 = arith.cmpi ne, %rem3A, %ne3A_51 : i32
      %and3A = arith.andi %ne3A, %ne3A_52 : i1
      %sub3A = arith.constant 1 : i32
      %sub3A_53 = arith.subi %div3A, %sub3A : i32
      %select_n3A = arith.select %and3A, %sub3A_53, %div3A : i32
      %jit3A_54 = arith.constant 8 : i32
      %eq3A_55 = arith.constant 0 : i32
      %eq3A_56 = arith.cmpi eq, %jit3A_54, %eq3A_55 : i32
      %jit3A_57 = arith.constant 1 : i32
      %select_n3A_58 = arith.select %eq3A_56, %jit3A_57, %jit3A_54 : i32
      %rem3A_59 = arith.remsi %scan3A_35, %select_n3A_58 : i32
      %ne3A_60 = arith.constant 0 : i32
      %ne3A_61 = arith.cmpi ne, %rem3A_59, %ne3A_60 : i32
      %lt3A = arith.constant 0 : i32
      %lt3A_62 = arith.cmpi slt, %rem3A_59, %lt3A : i32
      %lt3A_63 = arith.constant 0 : i32
      %lt3A_64 = arith.cmpi slt, %select_n3A_58, %lt3A_63 : i32
      %ne3A_65 = arith.xori %lt3A_62, %lt3A_64 : i1
      %and3A_66 = arith.andi %ne3A_65, %ne3A_61 : i1
      %add3A_67 = arith.addi %rem3A_59, %select_n3A_58 : i32
      %select_n3A_68 = arith.select %and3A_66, %add3A_67, %rem3A_59 : i32
      %mul3A_69 = arith.constant 16 : i32
      %mul3A_70 = arith.muli %select_n3A_68, %mul3A_69 : i32
      %swap3A = arith.index_cast %select_n3A : i32 to index
      %swap3A_71 = arith.index_cast %mul3A_70 : i32 to index
      %swap3A_72 = tpu.vector_load %arg10[%swap3A, %swap3A_71] {strides = array<i32>} : memref<16x128xf32, #tpu.memory_space<vmem>>, vector<1x16xf32>,
      %swap3A_73 = vector.shape_cast %swap3A_72 : vector<1x16xf32> to vector<16xf32>
      %swap3A_74 = vector.shape_cast %broadcast_in_dim3A_37 : vector<16xf32> to vector<1x16xf32>
      tpu.vector_store %arg10[%swap3A, %swap3A_71], %swap3A_74 {strides = array<i32>} : memref<16x128xf32, #tpu.memory_space<vmem>>, vector<1x16xf32>,
      %scan3A_75 = arith.constant 0 : i32
      scf.yield %scan3A_75 : i32
    }
    %scan3A_5 = arith.constant 128 : i32
    %mul3A = arith.constant 624 : i32
    %mul3A_6 = arith.muli %arg1, %mul3A : i32
    %scan3A_7 = arith.constant 0 : i32
    %scan3A_8 = arith.constant 0 : i32
    %scan3A_9 = arith.constant 39 : i32
    %scan3A_10 = arith.addi %scan3A_8, %scan3A_9 : i32
    %scan3A_11 = arith.constant 1 : i32
    %scan3A_12 = scf.for %scan3A_35 = %scan3A_8 to %scan3A_10 step %scan3A_11 iter_args(%scan3A_36 = %scan3A_7) -> (i32)  : i32 {
      %mul3A_37 = arith.constant 16 : i32
      %mul3A_38 = arith.muli %scan3A_35, %mul3A_37 : i32
      %add3A_39 = arith.addi %mul3A_6, %mul3A_38 : i32
      "tpu.region"() ({
        %run_scoped3A = tpu.sem_alloc : memref<!tpu.dma_semaphore, #tpu.memory_space<semaphore_mem>>
        %dma_start3A = arith.constant 0 : i32
        %dma_start3A_41 = tpu.memref_slice %arg6[%add3A_39, %dma_start3A] : memref<10000x128xf32, #tpu.memory_space<vmem_shared>> -> memref<16x128xf32, #tpu.memory_space<vmem_shared>>
        %dma_start3A_42 = arith.constant 0 : i32
        %dma_start3A_43 = tpu.memref_slice %arg6[%add3A_39, %dma_start3A_42] : memref<10000x128xf32, #tpu.memory_space<vmem_shared>> -> memref<16x128xf32, #tpu.memory_space<vmem_shared>>
        tpu.enqueue_dma source(%arg10 : memref<16x128xf32, #tpu.memory_space<vmem>>) target(%dma_start3A_43 : memref<16x128xf32, #tpu.memory_space<vmem_shared>>) target_semaphore(%run_scoped3A : memref<!tpu.dma_semaphore, #tpu.memory_space<semaphore_mem>>)
        %dma_wait3A = arith.constant 0 : i32
        %dma_wait3A_44 = tpu.memref_slice %arg6[%add3A_39, %dma_wait3A] : memref<10000x128xf32, #tpu.memory_space<vmem_shared>> -> memref<16x128xf32, #tpu.memory_space<vmem_shared>>
        %dma_wait3A_45 = arith.constant 0 : i32
        %dma_wait3A_46 = tpu.memref_slice %arg6[%add3A_39, %dma_wait3A_45] : memref<10000x128xf32, #tpu.memory_space<vmem_shared>> -> memref<16x128xf32, #tpu.memory_space<vmem_shared>>
        tpu.wait_dma2 semaphore(%run_scoped3A : memref<!tpu.dma_semaphore, #tpu.memory_space<semaphore_mem>>) src(%arg10 : memref<16x128xf32, #tpu.memory_space<vmem>>) dst(%dma_wait3A_46 : memref<16x128xf32, #tpu.memory_space<vmem_shared>>)
        tpu.yield
      }) : () -> ()
      %scan3A_40 = arith.constant 0 : i32
      scf.yield %scan3A_40 : i32
    }
    %scan3A_13 = arith.constant 39 : i32
    %eq3A = arith.constant 0 : i32
    %eq3A_14 = arith.cmpi eq, %arg1, %eq3A : i32
    %convert_element_type3A = arith.extui %eq3A_14 : i1 to i32
    %cond3A = arith.constant 0 : i32
    %cond3A_15 = arith.cmpi ne, %convert_element_type3A, %cond3A : i32
    scf.if %cond3A_15 {
      "tpu.region"() ({
        %run_scoped3A = tpu.sem_alloc : memref<!tpu.dma_semaphore, #tpu.memory_space<semaphore_mem>>
        %dma_start3A = arith.constant 9984 : i32
        %dma_start3A_35 = arith.constant 0 : i32
        %dma_start3A_36 = tpu.memref_slice %arg6[%dma_start3A, %dma_start3A_35] : memref<10000x128xf32, #tpu.memory_space<vmem_shared>> -> memref<16x128xf32, #tpu.memory_space<vmem_shared>>
        %dma_start3A_37 = arith.constant 9984 : i32
        %dma_start3A_38 = arith.constant 0 : i32
        %dma_start3A_39 = tpu.memref_slice %arg6[%dma_start3A_37, %dma_start3A_38] : memref<10000x128xf32, #tpu.memory_space<vmem_shared>> -> memref<16x128xf32, #tpu.memory_space<vmem_shared>>
        tpu.enqueue_dma source(%arg10 : memref<16x128xf32, #tpu.memory_space<vmem>>) target(%dma_start3A_39 : memref<16x128xf32, #tpu.memory_space<vmem_shared>>) target_semaphore(%run_scoped3A : memref<!tpu.dma_semaphore, #tpu.memory_space<semaphore_mem>>)
        %dma_wait3A = arith.constant 9984 : i32
        %dma_wait3A_40 = arith.constant 0 : i32
        %dma_wait3A_41 = tpu.memref_slice %arg6[%dma_wait3A, %dma_wait3A_40] : memref<10000x128xf32, #tpu.memory_space<vmem_shared>> -> memref<16x128xf32, #tpu.memory_space<vmem_shared>>
        %dma_wait3A_42 = arith.constant 9984 : i32
        %dma_wait3A_43 = arith.constant 0 : i32
        %dma_wait3A_44 = tpu.memref_slice %arg6[%dma_wait3A_42, %dma_wait3A_43] : memref<10000x128xf32, #tpu.memory_space<vmem_shared>> -> memref<16x128xf32, #tpu.memory_space<vmem_shared>>
        tpu.wait_dma2 semaphore(%run_scoped3A : memref<!tpu.dma_semaphore, #tpu.memory_space<semaphore_mem>>) src(%arg10 : memref<16x128xf32, #tpu.memory_space<vmem>>) dst(%dma_wait3A_44 : memref<16x128xf32, #tpu.memory_space<vmem_shared>>)
        tpu.yield
      }) : () -> ()
    } else {
    }
    %barrier3A = arith.constant 0 : index
    tpu.barrier barrier_id(%barrier3A)
    %mul3A_16 = arith.constant 10000 : i32
    %mul3A_17 = arith.muli %arg1, %mul3A_16 : i32
    %mul3A_18 = arith.constant 10000 : i32
    %mul3A_19 = arith.muli %arg0, %mul3A_18 : i32
    %scan3A_20 = arith.constant 0 : i32
    %scan3A_21 = arith.constant 0 : i32
    %scan3A_22 = arith.constant 125 : i32
    %scan3A_23 = arith.addi %scan3A_21, %scan3A_22 : i32
    %scan3A_24 = arith.constant 1 : i32
    %scan3A_25 = scf.for %scan3A_35 = %scan3A_21 to %scan3A_23 step %scan3A_24 iter_args(%scan3A_36 = %scan3A_20) -> (i32)  : i32 {
      %mul3A_37 = arith.constant 80 : i32
      %mul3A_38 = arith.muli %scan3A_35, %mul3A_37 : i32
      %add3A_39 = arith.addi %mul3A_17, %mul3A_38 : i32
      "tpu.region"() ({
        %run_scoped3A = tpu.sem_alloc : memref<!tpu.dma_semaphore, #tpu.memory_space<semaphore_mem>>
        %dma_start3A_88 = tpu.memref_slice %arg3[%add3A_39] : memref<160000xi32, #tpu.memory_space<hbm>> -> memref<80xi32, #tpu.memory_space<hbm>>
        %dma_start3A_89 = tpu.memref_slice %arg3[%add3A_39] : memref<160000xi32, #tpu.memory_space<hbm>> -> memref<80xi32, #tpu.memory_space<hbm>>
        tpu.enqueue_dma source(%dma_start3A_89 : memref<80xi32, #tpu.memory_space<hbm>>) target(%arg7 : memref<80xi32, #tpu.memory_space<vmem>>) target_semaphore(%run_scoped3A : memref<!tpu.dma_semaphore, #tpu.memory_space<semaphore_mem>>)
        %dma_wait3A_90 = tpu.memref_slice %arg3[%add3A_39] : memref<160000xi32, #tpu.memory_space<hbm>> -> memref<80xi32, #tpu.memory_space<hbm>>
        %dma_wait3A_91 = tpu.memref_slice %arg3[%add3A_39] : memref<160000xi32, #tpu.memory_space<hbm>> -> memref<80xi32, #tpu.memory_space<hbm>>
        tpu.wait_dma2 semaphore(%run_scoped3A : memref<!tpu.dma_semaphore, #tpu.memory_space<semaphore_mem>>) src(%dma_wait3A_91 : memref<80xi32, #tpu.memory_space<hbm>>) dst(%arg7 : memref<80xi32, #tpu.memory_space<vmem>>)
        tpu.yield
      }) : () -> ()
      "tpu.region"() ({
        %run_scoped3A = tpu.sem_alloc : memref<!tpu.dma_semaphore, #tpu.memory_space<semaphore_mem>>
        %dma_start3A_88 = tpu.memref_slice %arg4[%add3A_39] : memref<160000xi32, #tpu.memory_space<hbm>> -> memref<80xi32, #tpu.memory_space<hbm>>
        %dma_start3A_89 = tpu.memref_slice %arg4[%add3A_39] : memref<160000xi32, #tpu.memory_space<hbm>> -> memref<80xi32, #tpu.memory_space<hbm>>
        tpu.enqueue_dma source(%dma_start3A_89 : memref<80xi32, #tpu.memory_space<hbm>>) target(%arg8 : memref<80xi32, #tpu.memory_space<vmem>>) target_semaphore(%run_scoped3A : memref<!tpu.dma_semaphore, #tpu.memory_space<semaphore_mem>>)
        %dma_wait3A_90 = tpu.memref_slice %arg4[%add3A_39] : memref<160000xi32, #tpu.memory_space<hbm>> -> memref<80xi32, #tpu.memory_space<hbm>>
        %dma_wait3A_91 = tpu.memref_slice %arg4[%add3A_39] : memref<160000xi32, #tpu.memory_space<hbm>> -> memref<80xi32, #tpu.memory_space<hbm>>
        tpu.wait_dma2 semaphore(%run_scoped3A : memref<!tpu.dma_semaphore, #tpu.memory_space<semaphore_mem>>) src(%dma_wait3A_91 : memref<80xi32, #tpu.memory_space<hbm>>) dst(%arg8 : memref<80xi32, #tpu.memory_space<vmem>>)
        tpu.yield
      }) : () -> ()
      %get3A = arith.constant 0 : index
      %get3A_40 = tpu.vector_load %arg7[%get3A] {strides = array<i32>} : memref<80xi32, #tpu.memory_space<vmem>>, vector<16xi32>,
      %get3A_41 = vector.shape_cast %get3A_40 : vector<16xi32> to vector<16xi32>
      %add3A_42 = vector.broadcast %mul3A_19 : i32 to vector<16xi32>
      %add3A_43 = arith.addi %get3A_41, %add3A_42 : vector<16xi32>
      %swap3A = arith.constant 0 : index
      %swap3A_44 = tpu.vector_load %arg7[%swap3A] {strides = array<i32>} : memref<80xi32, #tpu.memory_space<vmem>>, vector<16xi32>,
      %swap3A_45 = vector.shape_cast %swap3A_44 : vector<16xi32> to vector<16xi32>
      %swap3A_46 = vector.shape_cast %add3A_43 : vector<16xi32> to vector<16xi32>
      tpu.vector_store %arg7[%swap3A], %swap3A_46 {strides = array<i32>} : memref<80xi32, #tpu.memory_space<vmem>>, vector<16xi32>,
      %get3A_47 = arith.constant 16 : index
      %get3A_48 = tpu.vector_load %arg7[%get3A_47] {strides = array<i32>} : memref<80xi32, #tpu.memory_space<vmem>>, vector<16xi32>,
      %get3A_49 = vector.shape_cast %get3A_48 : vector<16xi32> to vector<16xi32>
      %add3A_50 = vector.broadcast %mul3A_19 : i32 to vector<16xi32>
      %add3A_51 = arith.addi %get3A_49, %add3A_50 : vector<16xi32>
      %swap3A_52 = arith.constant 16 : index
      %swap3A_53 = tpu.vector_load %arg7[%swap3A_52] {strides = array<i32>} : memref<80xi32, #tpu.memory_space<vmem>>, vector<16xi32>,
      %swap3A_54 = vector.shape_cast %swap3A_53 : vector<16xi32> to vector<16xi32>
      %swap3A_55 = vector.shape_cast %add3A_51 : vector<16xi32> to vector<16xi32>
      tpu.vector_store %arg7[%swap3A_52], %swap3A_55 {strides = array<i32>} : memref<80xi32, #tpu.memory_space<vmem>>, vector<16xi32>,
      %get3A_56 = arith.constant 32 : index
      %get3A_57 = tpu.vector_load %arg7[%get3A_56] {strides = array<i32>} : memref<80xi32, #tpu.memory_space<vmem>>, vector<16xi32>,
      %get3A_58 = vector.shape_cast %get3A_57 : vector<16xi32> to vector<16xi32>
      %add3A_59 = vector.broadcast %mul3A_19 : i32 to vector<16xi32>
      %add3A_60 = arith.addi %get3A_58, %add3A_59 : vector<16xi32>
      %swap3A_61 = arith.constant 32 : index
      %swap3A_62 = tpu.vector_load %arg7[%swap3A_61] {strides = array<i32>} : memref<80xi32, #tpu.memory_space<vmem>>, vector<16xi32>,
      %swap3A_63 = vector.shape_cast %swap3A_62 : vector<16xi32> to vector<16xi32>
      %swap3A_64 = vector.shape_cast %add3A_60 : vector<16xi32> to vector<16xi32>
      tpu.vector_store %arg7[%swap3A_61], %swap3A_64 {strides = array<i32>} : memref<80xi32, #tpu.memory_space<vmem>>, vector<16xi32>,
      %get3A_65 = arith.constant 48 : index
      %get3A_66 = tpu.vector_load %arg7[%get3A_65] {strides = array<i32>} : memref<80xi32, #tpu.memory_space<vmem>>, vector<16xi32>,
      %get3A_67 = vector.shape_cast %get3A_66 : vector<16xi32> to vector<16xi32>
      %add3A_68 = vector.broadcast %mul3A_19 : i32 to vector<16xi32>
      %add3A_69 = arith.addi %get3A_67, %add3A_68 : vector<16xi32>
      %swap3A_70 = arith.constant 48 : index
      %swap3A_71 = tpu.vector_load %arg7[%swap3A_70] {strides = array<i32>} : memref<80xi32, #tpu.memory_space<vmem>>, vector<16xi32>,
      %swap3A_72 = vector.shape_cast %swap3A_71 : vector<16xi32> to vector<16xi32>
      %swap3A_73 = vector.shape_cast %add3A_69 : vector<16xi32> to vector<16xi32>
      tpu.vector_store %arg7[%swap3A_70], %swap3A_73 {strides = array<i32>} : memref<80xi32, #tpu.memory_space<vmem>>, vector<16xi32>,
      %get3A_74 = arith.constant 64 : index
      %get3A_75 = tpu.vector_load %arg7[%get3A_74] {strides = array<i32>} : memref<80xi32, #tpu.memory_space<vmem>>, vector<16xi32>,
      %get3A_76 = vector.shape_cast %get3A_75 : vector<16xi32> to vector<16xi32>
      %add3A_77 = vector.broadcast %mul3A_19 : i32 to vector<16xi32>
      %add3A_78 = arith.addi %get3A_76, %add3A_77 : vector<16xi32>
      %swap3A_79 = arith.constant 64 : index
      %swap3A_80 = tpu.vector_load %arg7[%swap3A_79] {strides = array<i32>} : memref<80xi32, #tpu.memory_space<vmem>>, vector<16xi32>,
      %swap3A_81 = vector.shape_cast %swap3A_80 : vector<16xi32> to vector<16xi32>
      %swap3A_82 = vector.shape_cast %add3A_78 : vector<16xi32> to vector<16xi32>
      tpu.vector_store %arg7[%swap3A_79], %swap3A_82 {strides = array<i32>} : memref<80xi32, #tpu.memory_space<vmem>>, vector<16xi32>,
      %dma_start3A = arith.constant 0 : i32
      %dma_start3A_83 = arith.constant 0 : i32
      %dma_start3A_84 = tpu.memref_slice %arg2[%dma_start3A, %dma_start3A_83] : memref<20000x128xf32, #tpu.memory_space<hbm>> -> memref<20000x128xf32, #tpu.memory_space<hbm>>
      tpu.enqueue_indirect_dma source(%dma_start3A_84 : memref<20000x128xf32, #tpu.memory_space<hbm>>) target(%arg9 : memref<80x128xf32, #tpu.memory_space<vmem>>) offsets(%arg7 : memref<80xi32, #tpu.memory_space<vmem>>) semaphore(%arg11 : memref<!tpu.dma_semaphore, #tpu.memory_space<semaphore_mem>>)
      %dma_wait3A = arith.constant 0 : i32
      %dma_wait3A_85 = arith.constant 0 : i32
      %dma_wait3A_86 = tpu.memref_slice %arg2[%dma_wait3A, %dma_wait3A_85] : memref<20000x128xf32, #tpu.memory_space<hbm>> -> memref<20000x128xf32, #tpu.memory_space<hbm>>
      tpu.wait_indirect_dma semaphore(%arg11 : memref<!tpu.dma_semaphore, #tpu.memory_space<semaphore_mem>>) src(%dma_wait3A_86 : memref<20000x128xf32, #tpu.memory_space<hbm>>) dst(%arg9 : memref<80x128xf32, #tpu.memory_space<vmem>>)
      "tpu.region"() ({
        %run_scoped3A = tpu.sem_alloc : memref<!tpu.dma_semaphore, #tpu.memory_space<semaphore_mem>>
        %dma_start3A_88 = arith.constant 0 : i32
        %dma_start3A_89 = arith.constant 0 : i32
        %dma_start3A_90 = tpu.memref_slice %arg6[%dma_start3A_88, %dma_start3A_89] : memref<10000x128xf32, #tpu.memory_space<vmem_shared>> -> memref<10000x128xf32, #tpu.memory_space<vmem_shared>>
        tpu.enqueue_indirect_dma source(%arg9 : memref<80x128xf32, #tpu.memory_space<vmem>>) target(%dma_start3A_90 : memref<10000x128xf32, #tpu.memory_space<vmem_shared>>) offsets(%arg8 : memref<80xi32, #tpu.memory_space<vmem>>) semaphore(%run_scoped3A : memref<!tpu.dma_semaphore, #tpu.memory_space<semaphore_mem>>) {add = true}
        %dma_wait3A_91 = arith.constant 0 : i32
        %dma_wait3A_92 = arith.constant 0 : i32
        %dma_wait3A_93 = tpu.memref_slice %arg6[%dma_wait3A_91, %dma_wait3A_92] : memref<10000x128xf32, #tpu.memory_space<vmem_shared>> -> memref<10000x128xf32, #tpu.memory_space<vmem_shared>>
        tpu.wait_indirect_dma semaphore(%run_scoped3A : memref<!tpu.dma_semaphore, #tpu.memory_space<semaphore_mem>>) src(%arg9 : memref<80x128xf32, #tpu.memory_space<vmem>>) dst(%dma_wait3A_93 : memref<10000x128xf32, #tpu.memory_space<vmem_shared>>)
        tpu.yield
      }) : () -> ()
      %scan3A_87 = arith.constant 0 : i32
      scf.yield %scan3A_87 : i32
    }
    %scan3A_26 = arith.constant 125 : i32
    %barrier3A_27 = arith.constant 0 : index
    tpu.barrier barrier_id(%barrier3A_27)
    %mul3A_28 = arith.constant 624 : i32
    %mul3A_29 = arith.muli %arg1, %mul3A_28 : i32
    %add3A = arith.addi %mul3A_19, %mul3A_29 : i32
    "tpu.region"() ({
      %run_scoped3A = tpu.sem_alloc : memref<!tpu.dma_semaphore, #tpu.memory_space<semaphore_mem>>
      %dma_start3A = arith.constant 0 : i32
      %dma_start3A_35 = tpu.memref_slice %arg5[%add3A, %dma_start3A] : memref<20000x128xf32, #tpu.memory_space<hbm>> -> memref<624x128xf32, #tpu.memory_space<hbm>>
      %dma_start3A_36 = arith.constant 0 : i32
      %dma_start3A_37 = tpu.memref_slice %arg6[%mul3A_29, %dma_start3A_36] : memref<10000x128xf32, #tpu.memory_space<vmem_shared>> -> memref<624x128xf32, #tpu.memory_space<vmem_shared>>
      tpu.enqueue_dma source(%dma_start3A_37 : memref<624x128xf32, #tpu.memory_space<vmem_shared>>) target(%dma_start3A_35 : memref<624x128xf32, #tpu.memory_space<hbm>>) target_semaphore(%run_scoped3A : memref<!tpu.dma_semaphore, #tpu.memory_space<semaphore_mem>>)
      %dma_wait3A = arith.constant 0 : i32
      %dma_wait3A_38 = tpu.memref_slice %arg5[%add3A, %dma_wait3A] : memref<20000x128xf32, #tpu.memory_space<hbm>> -> memref<624x128xf32, #tpu.memory_space<hbm>>
      %dma_wait3A_39 = arith.constant 0 : i32
      %dma_wait3A_40 = tpu.memref_slice %arg6[%mul3A_29, %dma_wait3A_39] : memref<10000x128xf32, #tpu.memory_space<vmem_shared>> -> memref<624x128xf32, #tpu.memory_space<vmem_shared>>
      tpu.wait_dma2 semaphore(%run_scoped3A : memref<!tpu.dma_semaphore, #tpu.memory_space<semaphore_mem>>) src(%dma_wait3A_40 : memref<624x128xf32, #tpu.memory_space<vmem_shared>>) dst(%dma_wait3A_38 : memref<624x128xf32, #tpu.memory_space<hbm>>)
      tpu.yield
    }) : () -> ()
    %eq3A_30 = arith.constant 0 : i32
    %eq3A_31 = arith.cmpi eq, %arg1, %eq3A_30 : i32
    %convert_element_type3A_32 = arith.extui %eq3A_31 : i1 to i32
    %cond3A_33 = arith.constant 0 : i32
    %cond3A_34 = arith.cmpi ne, %convert_element_type3A_32, %cond3A_33 : i32
    scf.if %cond3A_34 {
      %add3A_35 = arith.constant 9984 : i32
      %add3A_36 = arith.addi %mul3A_19, %add3A_35 : i32
      "tpu.region"() ({
        %run_scoped3A = tpu.sem_alloc : memref<!tpu.dma_semaphore, #tpu.memory_space<semaphore_mem>>
        %dma_start3A = arith.constant 0 : i32
        %dma_start3A_37 = tpu.memref_slice %arg5[%add3A_36, %dma_start3A] : memref<20000x128xf32, #tpu.memory_space<hbm>> -> memref<16x128xf32, #tpu.memory_space<hbm>>
        %dma_start3A_38 = arith.constant 9984 : i32
        %dma_start3A_39 = arith.constant 0 : i32
        %dma_start3A_40 = tpu.memref_slice %arg6[%dma_start3A_38, %dma_start3A_39] : memref<10000x128xf32, #tpu.memory_space<vmem_shared>> -> memref<16x128xf32, #tpu.memory_space<vmem_shared>>
        tpu.enqueue_dma source(%dma_start3A_40 : memref<16x128xf32, #tpu.memory_space<vmem_shared>>) target(%dma_start3A_37 : memref<16x128xf32, #tpu.memory_space<hbm>>) target_semaphore(%run_scoped3A : memref<!tpu.dma_semaphore, #tpu.memory_space<semaphore_mem>>)
        %dma_wait3A = arith.constant 0 : i32
        %dma_wait3A_41 = tpu.memref_slice %arg5[%add3A_36, %dma_wait3A] : memref<20000x128xf32, #tpu.memory_space<hbm>> -> memref<16x128xf32, #tpu.memory_space<hbm>>
        %dma_wait3A_42 = arith.constant 9984 : i32
        %dma_wait3A_43 = arith.constant 0 : i32
        %dma_wait3A_44 = tpu.memref_slice %arg6[%dma_wait3A_42, %dma_wait3A_43] : memref<10000x128xf32, #tpu.memory_space<vmem_shared>> -> memref<16x128xf32, #tpu.memory_space<vmem_shared>>
        tpu.wait_dma2 semaphore(%run_scoped3A : memref<!tpu.dma_semaphore, #tpu.memory_space<semaphore_mem>>) src(%dma_wait3A_44 : memref<16x128xf32, #tpu.memory_space<vmem_shared>>) dst(%dma_wait3A_41 : memref<16x128xf32, #tpu.memory_space<hbm>>)
        tpu.yield
      }) : () -> ()
    } else {
    }
    return
  }
}

#map = affine_map<(d0, d1) -> (0)>
#map1 = affine_map<(d0, d1) -> (0, 0)>
module attributes {stable_mosaic.version = 14 : i64} {
  func.func @sc_degree(%arg0: i32, %arg1: i32, %arg2: memref<160000xi32, #tpu.memory_space<hbm>>, %arg3: memref<20000x128xf32, #tpu.memory_space<hbm>>, %arg4: memref<10000x128xf32, #tpu.memory_space<vmem_shared>>, %arg5: memref<40xi32, #tpu.memory_space<vmem>>, %arg6: memref<40x128xf32, #tpu.memory_space<vmem>>, %arg7: memref<16x128xf32, #tpu.memory_space<vmem>>, %arg8: memref<!tpu.dma_semaphore, #tpu.memory_space<semaphore_mem>>) attributes {dimension_semantics = [#tpu.dimension_semantics<core_parallel>, #tpu.dimension_semantics<subcore_parallel>], iteration_bounds = array<i64: 2, 16>, scalar_prefetch = 0 : i64, scratch_operands = 5 : i64, tpu.core_type = #tpu.core_type<sc_vector_subcore>, window_params = [{transform_indices = #map}, {transform_indices = #map1}]} {
    %scan3A = arith.constant 0 : i32
    %scan3A_0 = arith.constant 0 : i32
    %scan3A_1 = arith.constant 128 : i32
    %scan3A_2 = arith.addi %scan3A_0, %scan3A_1 : i32
    %scan3A_3 = arith.constant 1 : i32
    %scan3A_4 = scf.for %scan3A_45 = %scan3A_0 to %scan3A_2 step %scan3A_3 iter_args(%scan3A_46 = %scan3A) -> (i32)  : i32 {
      %broadcast_in_dim3A = arith.constant 0.000000e+00 : f32
      %broadcast_in_dim3A_47 = vector.broadcast %broadcast_in_dim3A : f32 to vector<16xf32>
      %jit3A = arith.constant 8 : i32
      %div3A = arith.divsi %scan3A_45, %jit3A : i32
      %sign3A = arith.constant 0 : i32
      %sign3A_48 = arith.cmpi sgt, %scan3A_45, %sign3A : i32
      %sign3A_49 = arith.extui %sign3A_48 : i1 to i32
      %sign3A_50 = arith.constant 0 : i32
      %sign3A_51 = arith.cmpi slt, %scan3A_45, %sign3A_50 : i32
      %sign3A_52 = arith.extui %sign3A_51 : i1 to i32
      %sign3A_53 = arith.subi %sign3A_49, %sign3A_52 : i32
      %sign3A_54 = arith.constant 0 : i32
      %sign3A_55 = arith.cmpi sgt, %jit3A, %sign3A_54 : i32
      %sign3A_56 = arith.extui %sign3A_55 : i1 to i32
      %sign3A_57 = arith.constant 0 : i32
      %sign3A_58 = arith.cmpi slt, %jit3A, %sign3A_57 : i32
      %sign3A_59 = arith.extui %sign3A_58 : i1 to i32
      %sign3A_60 = arith.subi %sign3A_56, %sign3A_59 : i32
      %ne3A = arith.cmpi ne, %sign3A_53, %sign3A_60 : i32
      %rem3A = arith.remsi %scan3A_45, %jit3A : i32
      %ne3A_61 = arith.constant 0 : i32
      %ne3A_62 = arith.cmpi ne, %rem3A, %ne3A_61 : i32
      %and3A = arith.andi %ne3A, %ne3A_62 : i1
      %sub3A = arith.constant 1 : i32
      %sub3A_63 = arith.subi %div3A, %sub3A : i32
      %select_n3A = arith.select %and3A, %sub3A_63, %div3A : i32
      %jit3A_64 = arith.constant 8 : i32
      %eq3A_65 = arith.constant 0 : i32
      %eq3A_66 = arith.cmpi eq, %jit3A_64, %eq3A_65 : i32
      %jit3A_67 = arith.constant 1 : i32
      %select_n3A_68 = arith.select %eq3A_66, %jit3A_67, %jit3A_64 : i32
      %rem3A_69 = arith.remsi %scan3A_45, %select_n3A_68 : i32
      %ne3A_70 = arith.constant 0 : i32
      %ne3A_71 = arith.cmpi ne, %rem3A_69, %ne3A_70 : i32
      %lt3A = arith.constant 0 : i32
      %lt3A_72 = arith.cmpi slt, %rem3A_69, %lt3A : i32
      %lt3A_73 = arith.constant 0 : i32
      %lt3A_74 = arith.cmpi slt, %select_n3A_68, %lt3A_73 : i32
      %ne3A_75 = arith.xori %lt3A_72, %lt3A_74 : i1
      %and3A_76 = arith.andi %ne3A_75, %ne3A_71 : i1
      %add3A_77 = arith.addi %rem3A_69, %select_n3A_68 : i32
      %select_n3A_78 = arith.select %and3A_76, %add3A_77, %rem3A_69 : i32
      %mul3A_79 = arith.constant 16 : i32
      %mul3A_80 = arith.muli %select_n3A_78, %mul3A_79 : i32
      %swap3A = arith.index_cast %select_n3A : i32 to index
      %swap3A_81 = arith.index_cast %mul3A_80 : i32 to index
      %swap3A_82 = tpu.vector_load %arg7[%swap3A, %swap3A_81] {strides = array<i32>} : memref<16x128xf32, #tpu.memory_space<vmem>>, vector<1x16xf32>,
      %swap3A_83 = vector.shape_cast %swap3A_82 : vector<1x16xf32> to vector<16xf32>
      %swap3A_84 = vector.shape_cast %broadcast_in_dim3A_47 : vector<16xf32> to vector<1x16xf32>
      tpu.vector_store %arg7[%swap3A, %swap3A_81], %swap3A_84 {strides = array<i32>} : memref<16x128xf32, #tpu.memory_space<vmem>>, vector<1x16xf32>,
      %scan3A_85 = arith.constant 0 : i32
      scf.yield %scan3A_85 : i32
    }
    %scan3A_5 = arith.constant 128 : i32
    %scan3A_6 = arith.constant 0 : i32
    %scan3A_7 = arith.constant 0 : i32
    %scan3A_8 = arith.constant 320 : i32
    %scan3A_9 = arith.addi %scan3A_7, %scan3A_8 : i32
    %scan3A_10 = arith.constant 1 : i32
    %scan3A_11 = scf.for %scan3A_45 = %scan3A_7 to %scan3A_9 step %scan3A_10 iter_args(%scan3A_46 = %scan3A_6) -> (i32)  : i32 {
      %broadcast_in_dim3A = arith.constant 1.000000e+00 : f32
      %broadcast_in_dim3A_47 = vector.broadcast %broadcast_in_dim3A : f32 to vector<16xf32>
      %jit3A = arith.constant 8 : i32
      %div3A = arith.divsi %scan3A_45, %jit3A : i32
      %sign3A = arith.constant 0 : i32
      %sign3A_48 = arith.cmpi sgt, %scan3A_45, %sign3A : i32
      %sign3A_49 = arith.extui %sign3A_48 : i1 to i32
      %sign3A_50 = arith.constant 0 : i32
      %sign3A_51 = arith.cmpi slt, %scan3A_45, %sign3A_50 : i32
      %sign3A_52 = arith.extui %sign3A_51 : i1 to i32
      %sign3A_53 = arith.subi %sign3A_49, %sign3A_52 : i32
      %sign3A_54 = arith.constant 0 : i32
      %sign3A_55 = arith.cmpi sgt, %jit3A, %sign3A_54 : i32
      %sign3A_56 = arith.extui %sign3A_55 : i1 to i32
      %sign3A_57 = arith.constant 0 : i32
      %sign3A_58 = arith.cmpi slt, %jit3A, %sign3A_57 : i32
      %sign3A_59 = arith.extui %sign3A_58 : i1 to i32
      %sign3A_60 = arith.subi %sign3A_56, %sign3A_59 : i32
      %ne3A = arith.cmpi ne, %sign3A_53, %sign3A_60 : i32
      %rem3A = arith.remsi %scan3A_45, %jit3A : i32
      %ne3A_61 = arith.constant 0 : i32
      %ne3A_62 = arith.cmpi ne, %rem3A, %ne3A_61 : i32
      %and3A = arith.andi %ne3A, %ne3A_62 : i1
      %sub3A = arith.constant 1 : i32
      %sub3A_63 = arith.subi %div3A, %sub3A : i32
      %select_n3A = arith.select %and3A, %sub3A_63, %div3A : i32
      %jit3A_64 = arith.constant 8 : i32
      %eq3A_65 = arith.constant 0 : i32
      %eq3A_66 = arith.cmpi eq, %jit3A_64, %eq3A_65 : i32
      %jit3A_67 = arith.constant 1 : i32
      %select_n3A_68 = arith.select %eq3A_66, %jit3A_67, %jit3A_64 : i32
      %rem3A_69 = arith.remsi %scan3A_45, %select_n3A_68 : i32
      %ne3A_70 = arith.constant 0 : i32
      %ne3A_71 = arith.cmpi ne, %rem3A_69, %ne3A_70 : i32
      %lt3A = arith.constant 0 : i32
      %lt3A_72 = arith.cmpi slt, %rem3A_69, %lt3A : i32
      %lt3A_73 = arith.constant 0 : i32
      %lt3A_74 = arith.cmpi slt, %select_n3A_68, %lt3A_73 : i32
      %ne3A_75 = arith.xori %lt3A_72, %lt3A_74 : i1
      %and3A_76 = arith.andi %ne3A_75, %ne3A_71 : i1
      %add3A_77 = arith.addi %rem3A_69, %select_n3A_68 : i32
      %select_n3A_78 = arith.select %and3A_76, %add3A_77, %rem3A_69 : i32
      %mul3A_79 = arith.constant 16 : i32
      %mul3A_80 = arith.muli %select_n3A_78, %mul3A_79 : i32
      %swap3A = arith.index_cast %select_n3A : i32 to index
      %swap3A_81 = arith.index_cast %mul3A_80 : i32 to index
      %swap3A_82 = tpu.vector_load %arg6[%swap3A, %swap3A_81] {strides = array<i32>} : memref<40x128xf32, #tpu.memory_space<vmem>>, vector<1x16xf32>,
      %swap3A_83 = vector.shape_cast %swap3A_82 : vector<1x16xf32> to vector<16xf32>
      %swap3A_84 = vector.shape_cast %broadcast_in_dim3A_47 : vector<16xf32> to vector<1x16xf32>
      tpu.vector_store %arg6[%swap3A, %swap3A_81], %swap3A_84 {strides = array<i32>} : memref<40x128xf32, #tpu.memory_space<vmem>>, vector<1x16xf32>,
      %scan3A_85 = arith.constant 0 : i32
      scf.yield %scan3A_85 : i32
    }
    %scan3A_12 = arith.constant 320 : i32
    %mul3A = arith.constant 624 : i32
    %mul3A_13 = arith.muli %arg1, %mul3A : i32
    %scan3A_14 = arith.constant 0 : i32
    %scan3A_15 = arith.constant 0 : i32
    %scan3A_16 = arith.constant 39 : i32
    %scan3A_17 = arith.addi %scan3A_15, %scan3A_16 : i32
    %scan3A_18 = arith.constant 1 : i32
    %scan3A_19 = scf.for %scan3A_45 = %scan3A_15 to %scan3A_17 step %scan3A_18 iter_args(%scan3A_46 = %scan3A_14) -> (i32)  : i32 {
      %mul3A_47 = arith.constant 16 : i32
      %mul3A_48 = arith.muli %scan3A_45, %mul3A_47 : i32
      %add3A_49 = arith.addi %mul3A_13, %mul3A_48 : i32
      "tpu.region"() ({
        %run_scoped3A = tpu.sem_alloc : memref<!tpu.dma_semaphore, #tpu.memory_space<semaphore_mem>>
        %dma_start3A = arith.constant 0 : i32
        %dma_start3A_51 = tpu.memref_slice %arg4[%add3A_49, %dma_start3A] : memref<10000x128xf32, #tpu.memory_space<vmem_shared>> -> memref<16x128xf32, #tpu.memory_space<vmem_shared>>
        %dma_start3A_52 = arith.constant 0 : i32
        %dma_start3A_53 = tpu.memref_slice %arg4[%add3A_49, %dma_start3A_52] : memref<10000x128xf32, #tpu.memory_space<vmem_shared>> -> memref<16x128xf32, #tpu.memory_space<vmem_shared>>
        tpu.enqueue_dma source(%arg7 : memref<16x128xf32, #tpu.memory_space<vmem>>) target(%dma_start3A_53 : memref<16x128xf32, #tpu.memory_space<vmem_shared>>) target_semaphore(%run_scoped3A : memref<!tpu.dma_semaphore, #tpu.memory_space<semaphore_mem>>)
        %dma_wait3A = arith.constant 0 : i32
        %dma_wait3A_54 = tpu.memref_slice %arg4[%add3A_49, %dma_wait3A] : memref<10000x128xf32, #tpu.memory_space<vmem_shared>> -> memref<16x128xf32, #tpu.memory_space<vmem_shared>>
        %dma_wait3A_55 = arith.constant 0 : i32
        %dma_wait3A_56 = tpu.memref_slice %arg4[%add3A_49, %dma_wait3A_55] : memref<10000x128xf32, #tpu.memory_space<vmem_shared>> -> memref<16x128xf32, #tpu.memory_space<vmem_shared>>
        tpu.wait_dma2 semaphore(%run_scoped3A : memref<!tpu.dma_semaphore, #tpu.memory_space<semaphore_mem>>) src(%arg7 : memref<16x128xf32, #tpu.memory_space<vmem>>) dst(%dma_wait3A_56 : memref<16x128xf32, #tpu.memory_space<vmem_shared>>)
        tpu.yield
      }) : () -> ()
      %scan3A_50 = arith.constant 0 : i32
      scf.yield %scan3A_50 : i32
    }
    %scan3A_20 = arith.constant 39 : i32
    %eq3A = arith.constant 0 : i32
    %eq3A_21 = arith.cmpi eq, %arg1, %eq3A : i32
    %convert_element_type3A = arith.extui %eq3A_21 : i1 to i32
    %cond3A = arith.constant 0 : i32
    %cond3A_22 = arith.cmpi ne, %convert_element_type3A, %cond3A : i32
    scf.if %cond3A_22 {
      "tpu.region"() ({
        %run_scoped3A = tpu.sem_alloc : memref<!tpu.dma_semaphore, #tpu.memory_space<semaphore_mem>>
        %dma_start3A = arith.constant 9984 : i32
        %dma_start3A_45 = arith.constant 0 : i32
        %dma_start3A_46 = tpu.memref_slice %arg4[%dma_start3A, %dma_start3A_45] : memref<10000x128xf32, #tpu.memory_space<vmem_shared>> -> memref<16x128xf32, #tpu.memory_space<vmem_shared>>
        %dma_start3A_47 = arith.constant 9984 : i32
        %dma_start3A_48 = arith.constant 0 : i32
        %dma_start3A_49 = tpu.memref_slice %arg4[%dma_start3A_47, %dma_start3A_48] : memref<10000x128xf32, #tpu.memory_space<vmem_shared>> -> memref<16x128xf32, #tpu.memory_space<vmem_shared>>
        tpu.enqueue_dma source(%arg7 : memref<16x128xf32, #tpu.memory_space<vmem>>) target(%dma_start3A_49 : memref<16x128xf32, #tpu.memory_space<vmem_shared>>) target_semaphore(%run_scoped3A : memref<!tpu.dma_semaphore, #tpu.memory_space<semaphore_mem>>)
        %dma_wait3A = arith.constant 9984 : i32
        %dma_wait3A_50 = arith.constant 0 : i32
        %dma_wait3A_51 = tpu.memref_slice %arg4[%dma_wait3A, %dma_wait3A_50] : memref<10000x128xf32, #tpu.memory_space<vmem_shared>> -> memref<16x128xf32, #tpu.memory_space<vmem_shared>>
        %dma_wait3A_52 = arith.constant 9984 : i32
        %dma_wait3A_53 = arith.constant 0 : i32
        %dma_wait3A_54 = tpu.memref_slice %arg4[%dma_wait3A_52, %dma_wait3A_53] : memref<10000x128xf32, #tpu.memory_space<vmem_shared>> -> memref<16x128xf32, #tpu.memory_space<vmem_shared>>
        tpu.wait_dma2 semaphore(%run_scoped3A : memref<!tpu.dma_semaphore, #tpu.memory_space<semaphore_mem>>) src(%arg7 : memref<16x128xf32, #tpu.memory_space<vmem>>) dst(%dma_wait3A_54 : memref<16x128xf32, #tpu.memory_space<vmem_shared>>)
        tpu.yield
      }) : () -> ()
    } else {
    }
    %barrier3A = arith.constant 0 : index
    tpu.barrier barrier_id(%barrier3A)
    %mul3A_23 = arith.constant 16 : i32
    %mul3A_24 = arith.muli %arg0, %mul3A_23 : i32
    %add3A = arith.addi %mul3A_24, %arg1 : i32
    %mul3A_25 = arith.constant 5000 : i32
    %mul3A_26 = arith.muli %add3A, %mul3A_25 : i32
    %scan3A_27 = arith.constant 0 : i32
    %scan3A_28 = arith.constant 0 : i32
    %scan3A_29 = arith.constant 125 : i32
    %scan3A_30 = arith.addi %scan3A_28, %scan3A_29 : i32
    %scan3A_31 = arith.constant 1 : i32
    %scan3A_32 = scf.for %scan3A_45 = %scan3A_28 to %scan3A_30 step %scan3A_31 iter_args(%scan3A_46 = %scan3A_27) -> (i32)  : i32 {
      %mul3A_47 = arith.constant 40 : i32
      %mul3A_48 = arith.muli %scan3A_45, %mul3A_47 : i32
      %add3A_49 = arith.addi %mul3A_26, %mul3A_48 : i32
      "tpu.region"() ({
        %run_scoped3A = tpu.sem_alloc : memref<!tpu.dma_semaphore, #tpu.memory_space<semaphore_mem>>
        %dma_start3A = tpu.memref_slice %arg2[%add3A_49] : memref<160000xi32, #tpu.memory_space<hbm>> -> memref<40xi32, #tpu.memory_space<hbm>>
        %dma_start3A_51 = tpu.memref_slice %arg2[%add3A_49] : memref<160000xi32, #tpu.memory_space<hbm>> -> memref<40xi32, #tpu.memory_space<hbm>>
        tpu.enqueue_dma source(%dma_start3A_51 : memref<40xi32, #tpu.memory_space<hbm>>) target(%arg5 : memref<40xi32, #tpu.memory_space<vmem>>) target_semaphore(%run_scoped3A : memref<!tpu.dma_semaphore, #tpu.memory_space<semaphore_mem>>)
        %dma_wait3A = tpu.memref_slice %arg2[%add3A_49] : memref<160000xi32, #tpu.memory_space<hbm>> -> memref<40xi32, #tpu.memory_space<hbm>>
        %dma_wait3A_52 = tpu.memref_slice %arg2[%add3A_49] : memref<160000xi32, #tpu.memory_space<hbm>> -> memref<40xi32, #tpu.memory_space<hbm>>
        tpu.wait_dma2 semaphore(%run_scoped3A : memref<!tpu.dma_semaphore, #tpu.memory_space<semaphore_mem>>) src(%dma_wait3A_52 : memref<40xi32, #tpu.memory_space<hbm>>) dst(%arg5 : memref<40xi32, #tpu.memory_space<vmem>>)
        tpu.yield
      }) : () -> ()
      "tpu.region"() ({
        %run_scoped3A = tpu.sem_alloc : memref<!tpu.dma_semaphore, #tpu.memory_space<semaphore_mem>>
        %dma_start3A = arith.constant 0 : i32
        %dma_start3A_51 = arith.constant 0 : i32
        %dma_start3A_52 = tpu.memref_slice %arg4[%dma_start3A, %dma_start3A_51] : memref<10000x128xf32, #tpu.memory_space<vmem_shared>> -> memref<10000x128xf32, #tpu.memory_space<vmem_shared>>
        tpu.enqueue_indirect_dma source(%arg6 : memref<40x128xf32, #tpu.memory_space<vmem>>) target(%dma_start3A_52 : memref<10000x128xf32, #tpu.memory_space<vmem_shared>>) offsets(%arg5 : memref<40xi32, #tpu.memory_space<vmem>>) semaphore(%run_scoped3A : memref<!tpu.dma_semaphore, #tpu.memory_space<semaphore_mem>>) {add = true}
        %dma_wait3A = arith.constant 0 : i32
        %dma_wait3A_53 = arith.constant 0 : i32
        %dma_wait3A_54 = tpu.memref_slice %arg4[%dma_wait3A, %dma_wait3A_53] : memref<10000x128xf32, #tpu.memory_space<vmem_shared>> -> memref<10000x128xf32, #tpu.memory_space<vmem_shared>>
        tpu.wait_indirect_dma semaphore(%run_scoped3A : memref<!tpu.dma_semaphore, #tpu.memory_space<semaphore_mem>>) src(%arg6 : memref<40x128xf32, #tpu.memory_space<vmem>>) dst(%dma_wait3A_54 : memref<10000x128xf32, #tpu.memory_space<vmem_shared>>)
        tpu.yield
      }) : () -> ()
      %scan3A_50 = arith.constant 0 : i32
      scf.yield %scan3A_50 : i32
    }
    %scan3A_33 = arith.constant 125 : i32
    %barrier3A_34 = arith.constant 0 : index
    tpu.barrier barrier_id(%barrier3A_34)
    %mul3A_35 = arith.constant 10000 : i32
    %mul3A_36 = arith.muli %arg0, %mul3A_35 : i32
    %mul3A_37 = arith.constant 624 : i32
    %mul3A_38 = arith.muli %arg1, %mul3A_37 : i32
    %add3A_39 = arith.addi %mul3A_36, %mul3A_38 : i32
    "tpu.region"() ({
      %run_scoped3A = tpu.sem_alloc : memref<!tpu.dma_semaphore, #tpu.memory_space<semaphore_mem>>
      %dma_start3A = arith.constant 0 : i32
      %dma_start3A_45 = tpu.memref_slice %arg3[%add3A_39, %dma_start3A] : memref<20000x128xf32, #tpu.memory_space<hbm>> -> memref<624x128xf32, #tpu.memory_space<hbm>>
      %dma_start3A_46 = arith.constant 0 : i32
      %dma_start3A_47 = tpu.memref_slice %arg4[%mul3A_38, %dma_start3A_46] : memref<10000x128xf32, #tpu.memory_space<vmem_shared>> -> memref<624x128xf32, #tpu.memory_space<vmem_shared>>
      tpu.enqueue_dma source(%dma_start3A_47 : memref<624x128xf32, #tpu.memory_space<vmem_shared>>) target(%dma_start3A_45 : memref<624x128xf32, #tpu.memory_space<hbm>>) target_semaphore(%run_scoped3A : memref<!tpu.dma_semaphore, #tpu.memory_space<semaphore_mem>>)
      %dma_wait3A = arith.constant 0 : i32
      %dma_wait3A_48 = tpu.memref_slice %arg3[%add3A_39, %dma_wait3A] : memref<20000x128xf32, #tpu.memory_space<hbm>> -> memref<624x128xf32, #tpu.memory_space<hbm>>
      %dma_wait3A_49 = arith.constant 0 : i32
      %dma_wait3A_50 = tpu.memref_slice %arg4[%mul3A_38, %dma_wait3A_49] : memref<10000x128xf32, #tpu.memory_space<vmem_shared>> -> memref<624x128xf32, #tpu.memory_space<vmem_shared>>
      tpu.wait_dma2 semaphore(%run_scoped3A : memref<!tpu.dma_semaphore, #tpu.memory_space<semaphore_mem>>) src(%dma_wait3A_50 : memref<624x128xf32, #tpu.memory_space<vmem_shared>>) dst(%dma_wait3A_48 : memref<624x128xf32, #tpu.memory_space<hbm>>)
      tpu.yield
    }) : () -> ()
    %eq3A_40 = arith.constant 0 : i32
    %eq3A_41 = arith.cmpi eq, %arg1, %eq3A_40 : i32
    %convert_element_type3A_42 = arith.extui %eq3A_41 : i1 to i32
    %cond3A_43 = arith.constant 0 : i32
    %cond3A_44 = arith.cmpi ne, %convert_element_type3A_42, %cond3A_43 : i32
    scf.if %cond3A_44 {
      %add3A_45 = arith.constant 9984 : i32
      %add3A_46 = arith.addi %mul3A_36, %add3A_45 : i32
      "tpu.region"() ({
        %run_scoped3A = tpu.sem_alloc : memref<!tpu.dma_semaphore, #tpu.memory_space<semaphore_mem>>
        %dma_start3A = arith.constant 0 : i32
        %dma_start3A_47 = tpu.memref_slice %arg3[%add3A_46, %dma_start3A] : memref<20000x128xf32, #tpu.memory_space<hbm>> -> memref<16x128xf32, #tpu.memory_space<hbm>>
        %dma_start3A_48 = arith.constant 9984 : i32
        %dma_start3A_49 = arith.constant 0 : i32
        %dma_start3A_50 = tpu.memref_slice %arg4[%dma_start3A_48, %dma_start3A_49] : memref<10000x128xf32, #tpu.memory_space<vmem_shared>> -> memref<16x128xf32, #tpu.memory_space<vmem_shared>>
        tpu.enqueue_dma source(%dma_start3A_50 : memref<16x128xf32, #tpu.memory_space<vmem_shared>>) target(%dma_start3A_47 : memref<16x128xf32, #tpu.memory_space<hbm>>) target_semaphore(%run_scoped3A : memref<!tpu.dma_semaphore, #tpu.memory_space<semaphore_mem>>)
        %dma_wait3A = arith.constant 0 : i32
        %dma_wait3A_51 = tpu.memref_slice %arg3[%add3A_46, %dma_wait3A] : memref<20000x128xf32, #tpu.memory_space<hbm>> -> memref<16x128xf32, #tpu.memory_space<hbm>>
        %dma_wait3A_52 = arith.constant 9984 : i32
        %dma_wait3A_53 = arith.constant 0 : i32
        %dma_wait3A_54 = tpu.memref_slice %arg4[%dma_wait3A_52, %dma_wait3A_53] : memref<10000x128xf32, #tpu.memory_space<vmem_shared>> -> memref<16x128xf32, #tpu.memory_space<vmem_shared>>
        tpu.wait_dma2 semaphore(%run_scoped3A : memref<!tpu.dma_semaphore, #tpu.memory_space<semaphore_mem>>) src(%dma_wait3A_54 : memref<16x128xf32, #tpu.memory_space<vmem_shared>>) dst(%dma_wait3A_51 : memref<16x128xf32, #tpu.memory_space<hbm>>)
        tpu.yield
      }) : () -> ()
    } else {
    }
    return
  }
}

#map = affine_map<(d0, d1) -> (0, 0)>
#map1 = affine_map<(d0, d1) -> (0)>
module attributes {stable_mosaic.version = 14 : i64} {
  func.func @sc_segment_sum(%arg0: i32, %arg1: i32, %arg2: memref<20000x128xf32, #tpu.memory_space<hbm>>, %arg3: memref<160000xi32, #tpu.memory_space<hbm>>, %arg4: memref<160000xi32, #tpu.memory_space<hbm>>, %arg5: memref<20000x128xf32, #tpu.memory_space<hbm>>, %arg6: memref<10000x128xf32, #tpu.memory_space<vmem_shared>>, %arg7: memref<80xi32, #tpu.memory_space<vmem>>, %arg8: memref<80xi32, #tpu.memory_space<vmem>>, %arg9: memref<80x128xf32, #tpu.memory_space<vmem>>, %arg10: memref<16x128xf32, #tpu.memory_space<vmem>>, %arg11: memref<!tpu.dma_semaphore, #tpu.memory_space<semaphore_mem>>) attributes {dimension_semantics = [#tpu.dimension_semantics<core_parallel>, #tpu.dimension_semantics<subcore_parallel>], iteration_bounds = array<i64: 2, 16>, scalar_prefetch = 0 : i64, scratch_operands = 6 : i64, tpu.core_type = #tpu.core_type<sc_vector_subcore>, window_params = [{transform_indices = #map}, {transform_indices = #map1}, {transform_indices = #map1}, {transform_indices = #map}]} {
    %scan3A = arith.constant 0 : i32
    %scan3A_0 = arith.constant 0 : i32
    %scan3A_1 = arith.constant 128 : i32
    %scan3A_2 = arith.addi %scan3A_0, %scan3A_1 : i32
    %scan3A_3 = arith.constant 1 : i32
    %scan3A_4 = scf.for %scan3A_35 = %scan3A_0 to %scan3A_2 step %scan3A_3 iter_args(%scan3A_36 = %scan3A) -> (i32)  : i32 {
      %broadcast_in_dim3A = arith.constant 0.000000e+00 : f32
      %broadcast_in_dim3A_37 = vector.broadcast %broadcast_in_dim3A : f32 to vector<16xf32>
      %jit3A = arith.constant 8 : i32
      %div3A = arith.divsi %scan3A_35, %jit3A : i32
      %sign3A = arith.constant 0 : i32
      %sign3A_38 = arith.cmpi sgt, %scan3A_35, %sign3A : i32
      %sign3A_39 = arith.extui %sign3A_38 : i1 to i32
      %sign3A_40 = arith.constant 0 : i32
      %sign3A_41 = arith.cmpi slt, %scan3A_35, %sign3A_40 : i32
      %sign3A_42 = arith.extui %sign3A_41 : i1 to i32
      %sign3A_43 = arith.subi %sign3A_39, %sign3A_42 : i32
      %sign3A_44 = arith.constant 0 : i32
      %sign3A_45 = arith.cmpi sgt, %jit3A, %sign3A_44 : i32
      %sign3A_46 = arith.extui %sign3A_45 : i1 to i32
      %sign3A_47 = arith.constant 0 : i32
      %sign3A_48 = arith.cmpi slt, %jit3A, %sign3A_47 : i32
      %sign3A_49 = arith.extui %sign3A_48 : i1 to i32
      %sign3A_50 = arith.subi %sign3A_46, %sign3A_49 : i32
      %ne3A = arith.cmpi ne, %sign3A_43, %sign3A_50 : i32
      %rem3A = arith.remsi %scan3A_35, %jit3A : i32
      %ne3A_51 = arith.constant 0 : i32
      %ne3A_52 = arith.cmpi ne, %rem3A, %ne3A_51 : i32
      %and3A = arith.andi %ne3A, %ne3A_52 : i1
      %sub3A = arith.constant 1 : i32
      %sub3A_53 = arith.subi %div3A, %sub3A : i32
      %select_n3A = arith.select %and3A, %sub3A_53, %div3A : i32
      %jit3A_54 = arith.constant 8 : i32
      %eq3A_55 = arith.constant 0 : i32
      %eq3A_56 = arith.cmpi eq, %jit3A_54, %eq3A_55 : i32
      %jit3A_57 = arith.constant 1 : i32
      %select_n3A_58 = arith.select %eq3A_56, %jit3A_57, %jit3A_54 : i32
      %rem3A_59 = arith.remsi %scan3A_35, %select_n3A_58 : i32
      %ne3A_60 = arith.constant 0 : i32
      %ne3A_61 = arith.cmpi ne, %rem3A_59, %ne3A_60 : i32
      %lt3A = arith.constant 0 : i32
      %lt3A_62 = arith.cmpi slt, %rem3A_59, %lt3A : i32
      %lt3A_63 = arith.constant 0 : i32
      %lt3A_64 = arith.cmpi slt, %select_n3A_58, %lt3A_63 : i32
      %ne3A_65 = arith.xori %lt3A_62, %lt3A_64 : i1
      %and3A_66 = arith.andi %ne3A_65, %ne3A_61 : i1
      %add3A_67 = arith.addi %rem3A_59, %select_n3A_58 : i32
      %select_n3A_68 = arith.select %and3A_66, %add3A_67, %rem3A_59 : i32
      %mul3A_69 = arith.constant 16 : i32
      %mul3A_70 = arith.muli %select_n3A_68, %mul3A_69 : i32
      %swap3A = arith.index_cast %select_n3A : i32 to index
      %swap3A_71 = arith.index_cast %mul3A_70 : i32 to index
      %swap3A_72 = tpu.vector_load %arg10[%swap3A, %swap3A_71] {strides = array<i32>} : memref<16x128xf32, #tpu.memory_space<vmem>>, vector<1x16xf32>,
      %swap3A_73 = vector.shape_cast %swap3A_72 : vector<1x16xf32> to vector<16xf32>
      %swap3A_74 = vector.shape_cast %broadcast_in_dim3A_37 : vector<16xf32> to vector<1x16xf32>
      tpu.vector_store %arg10[%swap3A, %swap3A_71], %swap3A_74 {strides = array<i32>} : memref<16x128xf32, #tpu.memory_space<vmem>>, vector<1x16xf32>,
      %scan3A_75 = arith.constant 0 : i32
      scf.yield %scan3A_75 : i32
    }
    %scan3A_5 = arith.constant 128 : i32
    %mul3A = arith.constant 624 : i32
    %mul3A_6 = arith.muli %arg1, %mul3A : i32
    %scan3A_7 = arith.constant 0 : i32
    %scan3A_8 = arith.constant 0 : i32
    %scan3A_9 = arith.constant 39 : i32
    %scan3A_10 = arith.addi %scan3A_8, %scan3A_9 : i32
    %scan3A_11 = arith.constant 1 : i32
    %scan3A_12 = scf.for %scan3A_35 = %scan3A_8 to %scan3A_10 step %scan3A_11 iter_args(%scan3A_36 = %scan3A_7) -> (i32)  : i32 {
      %mul3A_37 = arith.constant 16 : i32
      %mul3A_38 = arith.muli %scan3A_35, %mul3A_37 : i32
      %add3A_39 = arith.addi %mul3A_6, %mul3A_38 : i32
      "tpu.region"() ({
        %run_scoped3A = tpu.sem_alloc : memref<!tpu.dma_semaphore, #tpu.memory_space<semaphore_mem>>
        %dma_start3A = arith.constant 0 : i32
        %dma_start3A_41 = tpu.memref_slice %arg6[%add3A_39, %dma_start3A] : memref<10000x128xf32, #tpu.memory_space<vmem_shared>> -> memref<16x128xf32, #tpu.memory_space<vmem_shared>>
        %dma_start3A_42 = arith.constant 0 : i32
        %dma_start3A_43 = tpu.memref_slice %arg6[%add3A_39, %dma_start3A_42] : memref<10000x128xf32, #tpu.memory_space<vmem_shared>> -> memref<16x128xf32, #tpu.memory_space<vmem_shared>>
        tpu.enqueue_dma source(%arg10 : memref<16x128xf32, #tpu.memory_space<vmem>>) target(%dma_start3A_43 : memref<16x128xf32, #tpu.memory_space<vmem_shared>>) target_semaphore(%run_scoped3A : memref<!tpu.dma_semaphore, #tpu.memory_space<semaphore_mem>>)
        %dma_wait3A = arith.constant 0 : i32
        %dma_wait3A_44 = tpu.memref_slice %arg6[%add3A_39, %dma_wait3A] : memref<10000x128xf32, #tpu.memory_space<vmem_shared>> -> memref<16x128xf32, #tpu.memory_space<vmem_shared>>
        %dma_wait3A_45 = arith.constant 0 : i32
        %dma_wait3A_46 = tpu.memref_slice %arg6[%add3A_39, %dma_wait3A_45] : memref<10000x128xf32, #tpu.memory_space<vmem_shared>> -> memref<16x128xf32, #tpu.memory_space<vmem_shared>>
        tpu.wait_dma2 semaphore(%run_scoped3A : memref<!tpu.dma_semaphore, #tpu.memory_space<semaphore_mem>>) src(%arg10 : memref<16x128xf32, #tpu.memory_space<vmem>>) dst(%dma_wait3A_46 : memref<16x128xf32, #tpu.memory_space<vmem_shared>>)
        tpu.yield
      }) : () -> ()
      %scan3A_40 = arith.constant 0 : i32
      scf.yield %scan3A_40 : i32
    }
    %scan3A_13 = arith.constant 39 : i32
    %eq3A = arith.constant 0 : i32
    %eq3A_14 = arith.cmpi eq, %arg1, %eq3A : i32
    %convert_element_type3A = arith.extui %eq3A_14 : i1 to i32
    %cond3A = arith.constant 0 : i32
    %cond3A_15 = arith.cmpi ne, %convert_element_type3A, %cond3A : i32
    scf.if %cond3A_15 {
      "tpu.region"() ({
        %run_scoped3A = tpu.sem_alloc : memref<!tpu.dma_semaphore, #tpu.memory_space<semaphore_mem>>
        %dma_start3A = arith.constant 9984 : i32
        %dma_start3A_35 = arith.constant 0 : i32
        %dma_start3A_36 = tpu.memref_slice %arg6[%dma_start3A, %dma_start3A_35] : memref<10000x128xf32, #tpu.memory_space<vmem_shared>> -> memref<16x128xf32, #tpu.memory_space<vmem_shared>>
        %dma_start3A_37 = arith.constant 9984 : i32
        %dma_start3A_38 = arith.constant 0 : i32
        %dma_start3A_39 = tpu.memref_slice %arg6[%dma_start3A_37, %dma_start3A_38] : memref<10000x128xf32, #tpu.memory_space<vmem_shared>> -> memref<16x128xf32, #tpu.memory_space<vmem_shared>>
        tpu.enqueue_dma source(%arg10 : memref<16x128xf32, #tpu.memory_space<vmem>>) target(%dma_start3A_39 : memref<16x128xf32, #tpu.memory_space<vmem_shared>>) target_semaphore(%run_scoped3A : memref<!tpu.dma_semaphore, #tpu.memory_space<semaphore_mem>>)
        %dma_wait3A = arith.constant 9984 : i32
        %dma_wait3A_40 = arith.constant 0 : i32
        %dma_wait3A_41 = tpu.memref_slice %arg6[%dma_wait3A, %dma_wait3A_40] : memref<10000x128xf32, #tpu.memory_space<vmem_shared>> -> memref<16x128xf32, #tpu.memory_space<vmem_shared>>
        %dma_wait3A_42 = arith.constant 9984 : i32
        %dma_wait3A_43 = arith.constant 0 : i32
        %dma_wait3A_44 = tpu.memref_slice %arg6[%dma_wait3A_42, %dma_wait3A_43] : memref<10000x128xf32, #tpu.memory_space<vmem_shared>> -> memref<16x128xf32, #tpu.memory_space<vmem_shared>>
        tpu.wait_dma2 semaphore(%run_scoped3A : memref<!tpu.dma_semaphore, #tpu.memory_space<semaphore_mem>>) src(%arg10 : memref<16x128xf32, #tpu.memory_space<vmem>>) dst(%dma_wait3A_44 : memref<16x128xf32, #tpu.memory_space<vmem_shared>>)
        tpu.yield
      }) : () -> ()
    } else {
    }
    %barrier3A = arith.constant 0 : index
    tpu.barrier barrier_id(%barrier3A)
    %mul3A_16 = arith.constant 10000 : i32
    %mul3A_17 = arith.muli %arg1, %mul3A_16 : i32
    %mul3A_18 = arith.constant 10000 : i32
    %mul3A_19 = arith.muli %arg0, %mul3A_18 : i32
    %scan3A_20 = arith.constant 0 : i32
    %scan3A_21 = arith.constant 0 : i32
    %scan3A_22 = arith.constant 125 : i32
    %scan3A_23 = arith.addi %scan3A_21, %scan3A_22 : i32
    %scan3A_24 = arith.constant 1 : i32
    %scan3A_25 = scf.for %scan3A_35 = %scan3A_21 to %scan3A_23 step %scan3A_24 iter_args(%scan3A_36 = %scan3A_20) -> (i32)  : i32 {
      %mul3A_37 = arith.constant 80 : i32
      %mul3A_38 = arith.muli %scan3A_35, %mul3A_37 : i32
      %add3A_39 = arith.addi %mul3A_17, %mul3A_38 : i32
      "tpu.region"() ({
        %run_scoped3A = tpu.sem_alloc : memref<!tpu.dma_semaphore, #tpu.memory_space<semaphore_mem>>
        %dma_start3A_88 = tpu.memref_slice %arg3[%add3A_39] : memref<160000xi32, #tpu.memory_space<hbm>> -> memref<80xi32, #tpu.memory_space<hbm>>
        %dma_start3A_89 = tpu.memref_slice %arg3[%add3A_39] : memref<160000xi32, #tpu.memory_space<hbm>> -> memref<80xi32, #tpu.memory_space<hbm>>
        tpu.enqueue_dma source(%dma_start3A_89 : memref<80xi32, #tpu.memory_space<hbm>>) target(%arg7 : memref<80xi32, #tpu.memory_space<vmem>>) target_semaphore(%run_scoped3A : memref<!tpu.dma_semaphore, #tpu.memory_space<semaphore_mem>>)
        %dma_wait3A_90 = tpu.memref_slice %arg3[%add3A_39] : memref<160000xi32, #tpu.memory_space<hbm>> -> memref<80xi32, #tpu.memory_space<hbm>>
        %dma_wait3A_91 = tpu.memref_slice %arg3[%add3A_39] : memref<160000xi32, #tpu.memory_space<hbm>> -> memref<80xi32, #tpu.memory_space<hbm>>
        tpu.wait_dma2 semaphore(%run_scoped3A : memref<!tpu.dma_semaphore, #tpu.memory_space<semaphore_mem>>) src(%dma_wait3A_91 : memref<80xi32, #tpu.memory_space<hbm>>) dst(%arg7 : memref<80xi32, #tpu.memory_space<vmem>>)
        tpu.yield
      }) : () -> ()
      "tpu.region"() ({
        %run_scoped3A = tpu.sem_alloc : memref<!tpu.dma_semaphore, #tpu.memory_space<semaphore_mem>>
        %dma_start3A_88 = tpu.memref_slice %arg4[%add3A_39] : memref<160000xi32, #tpu.memory_space<hbm>> -> memref<80xi32, #tpu.memory_space<hbm>>
        %dma_start3A_89 = tpu.memref_slice %arg4[%add3A_39] : memref<160000xi32, #tpu.memory_space<hbm>> -> memref<80xi32, #tpu.memory_space<hbm>>
        tpu.enqueue_dma source(%dma_start3A_89 : memref<80xi32, #tpu.memory_space<hbm>>) target(%arg8 : memref<80xi32, #tpu.memory_space<vmem>>) target_semaphore(%run_scoped3A : memref<!tpu.dma_semaphore, #tpu.memory_space<semaphore_mem>>)
        %dma_wait3A_90 = tpu.memref_slice %arg4[%add3A_39] : memref<160000xi32, #tpu.memory_space<hbm>> -> memref<80xi32, #tpu.memory_space<hbm>>
        %dma_wait3A_91 = tpu.memref_slice %arg4[%add3A_39] : memref<160000xi32, #tpu.memory_space<hbm>> -> memref<80xi32, #tpu.memory_space<hbm>>
        tpu.wait_dma2 semaphore(%run_scoped3A : memref<!tpu.dma_semaphore, #tpu.memory_space<semaphore_mem>>) src(%dma_wait3A_91 : memref<80xi32, #tpu.memory_space<hbm>>) dst(%arg8 : memref<80xi32, #tpu.memory_space<vmem>>)
        tpu.yield
      }) : () -> ()
      %get3A = arith.constant 0 : index
      %get3A_40 = tpu.vector_load %arg7[%get3A] {strides = array<i32>} : memref<80xi32, #tpu.memory_space<vmem>>, vector<16xi32>,
      %get3A_41 = vector.shape_cast %get3A_40 : vector<16xi32> to vector<16xi32>
      %add3A_42 = vector.broadcast %mul3A_19 : i32 to vector<16xi32>
      %add3A_43 = arith.addi %get3A_41, %add3A_42 : vector<16xi32>
      %swap3A = arith.constant 0 : index
      %swap3A_44 = tpu.vector_load %arg7[%swap3A] {strides = array<i32>} : memref<80xi32, #tpu.memory_space<vmem>>, vector<16xi32>,
      %swap3A_45 = vector.shape_cast %swap3A_44 : vector<16xi32> to vector<16xi32>
      %swap3A_46 = vector.shape_cast %add3A_43 : vector<16xi32> to vector<16xi32>
      tpu.vector_store %arg7[%swap3A], %swap3A_46 {strides = array<i32>} : memref<80xi32, #tpu.memory_space<vmem>>, vector<16xi32>,
      %get3A_47 = arith.constant 16 : index
      %get3A_48 = tpu.vector_load %arg7[%get3A_47] {strides = array<i32>} : memref<80xi32, #tpu.memory_space<vmem>>, vector<16xi32>,
      %get3A_49 = vector.shape_cast %get3A_48 : vector<16xi32> to vector<16xi32>
      %add3A_50 = vector.broadcast %mul3A_19 : i32 to vector<16xi32>
      %add3A_51 = arith.addi %get3A_49, %add3A_50 : vector<16xi32>
      %swap3A_52 = arith.constant 16 : index
      %swap3A_53 = tpu.vector_load %arg7[%swap3A_52] {strides = array<i32>} : memref<80xi32, #tpu.memory_space<vmem>>, vector<16xi32>,
      %swap3A_54 = vector.shape_cast %swap3A_53 : vector<16xi32> to vector<16xi32>
      %swap3A_55 = vector.shape_cast %add3A_51 : vector<16xi32> to vector<16xi32>
      tpu.vector_store %arg7[%swap3A_52], %swap3A_55 {strides = array<i32>} : memref<80xi32, #tpu.memory_space<vmem>>, vector<16xi32>,
      %get3A_56 = arith.constant 32 : index
      %get3A_57 = tpu.vector_load %arg7[%get3A_56] {strides = array<i32>} : memref<80xi32, #tpu.memory_space<vmem>>, vector<16xi32>,
      %get3A_58 = vector.shape_cast %get3A_57 : vector<16xi32> to vector<16xi32>
      %add3A_59 = vector.broadcast %mul3A_19 : i32 to vector<16xi32>
      %add3A_60 = arith.addi %get3A_58, %add3A_59 : vector<16xi32>
      %swap3A_61 = arith.constant 32 : index
      %swap3A_62 = tpu.vector_load %arg7[%swap3A_61] {strides = array<i32>} : memref<80xi32, #tpu.memory_space<vmem>>, vector<16xi32>,
      %swap3A_63 = vector.shape_cast %swap3A_62 : vector<16xi32> to vector<16xi32>
      %swap3A_64 = vector.shape_cast %add3A_60 : vector<16xi32> to vector<16xi32>
      tpu.vector_store %arg7[%swap3A_61], %swap3A_64 {strides = array<i32>} : memref<80xi32, #tpu.memory_space<vmem>>, vector<16xi32>,
      %get3A_65 = arith.constant 48 : index
      %get3A_66 = tpu.vector_load %arg7[%get3A_65] {strides = array<i32>} : memref<80xi32, #tpu.memory_space<vmem>>, vector<16xi32>,
      %get3A_67 = vector.shape_cast %get3A_66 : vector<16xi32> to vector<16xi32>
      %add3A_68 = vector.broadcast %mul3A_19 : i32 to vector<16xi32>
      %add3A_69 = arith.addi %get3A_67, %add3A_68 : vector<16xi32>
      %swap3A_70 = arith.constant 48 : index
      %swap3A_71 = tpu.vector_load %arg7[%swap3A_70] {strides = array<i32>} : memref<80xi32, #tpu.memory_space<vmem>>, vector<16xi32>,
      %swap3A_72 = vector.shape_cast %swap3A_71 : vector<16xi32> to vector<16xi32>
      %swap3A_73 = vector.shape_cast %add3A_69 : vector<16xi32> to vector<16xi32>
      tpu.vector_store %arg7[%swap3A_70], %swap3A_73 {strides = array<i32>} : memref<80xi32, #tpu.memory_space<vmem>>, vector<16xi32>,
      %get3A_74 = arith.constant 64 : index
      %get3A_75 = tpu.vector_load %arg7[%get3A_74] {strides = array<i32>} : memref<80xi32, #tpu.memory_space<vmem>>, vector<16xi32>,
      %get3A_76 = vector.shape_cast %get3A_75 : vector<16xi32> to vector<16xi32>
      %add3A_77 = vector.broadcast %mul3A_19 : i32 to vector<16xi32>
      %add3A_78 = arith.addi %get3A_76, %add3A_77 : vector<16xi32>
      %swap3A_79 = arith.constant 64 : index
      %swap3A_80 = tpu.vector_load %arg7[%swap3A_79] {strides = array<i32>} : memref<80xi32, #tpu.memory_space<vmem>>, vector<16xi32>,
      %swap3A_81 = vector.shape_cast %swap3A_80 : vector<16xi32> to vector<16xi32>
      %swap3A_82 = vector.shape_cast %add3A_78 : vector<16xi32> to vector<16xi32>
      tpu.vector_store %arg7[%swap3A_79], %swap3A_82 {strides = array<i32>} : memref<80xi32, #tpu.memory_space<vmem>>, vector<16xi32>,
      %dma_start3A = arith.constant 0 : i32
      %dma_start3A_83 = arith.constant 0 : i32
      %dma_start3A_84 = tpu.memref_slice %arg2[%dma_start3A, %dma_start3A_83] : memref<20000x128xf32, #tpu.memory_space<hbm>> -> memref<20000x128xf32, #tpu.memory_space<hbm>>
      tpu.enqueue_indirect_dma source(%dma_start3A_84 : memref<20000x128xf32, #tpu.memory_space<hbm>>) target(%arg9 : memref<80x128xf32, #tpu.memory_space<vmem>>) offsets(%arg7 : memref<80xi32, #tpu.memory_space<vmem>>) semaphore(%arg11 : memref<!tpu.dma_semaphore, #tpu.memory_space<semaphore_mem>>)
      %dma_wait3A = arith.constant 0 : i32
      %dma_wait3A_85 = arith.constant 0 : i32
      %dma_wait3A_86 = tpu.memref_slice %arg2[%dma_wait3A, %dma_wait3A_85] : memref<20000x128xf32, #tpu.memory_space<hbm>> -> memref<20000x128xf32, #tpu.memory_space<hbm>>
      tpu.wait_indirect_dma semaphore(%arg11 : memref<!tpu.dma_semaphore, #tpu.memory_space<semaphore_mem>>) src(%dma_wait3A_86 : memref<20000x128xf32, #tpu.memory_space<hbm>>) dst(%arg9 : memref<80x128xf32, #tpu.memory_space<vmem>>)
      "tpu.region"() ({
        %run_scoped3A = tpu.sem_alloc : memref<!tpu.dma_semaphore, #tpu.memory_space<semaphore_mem>>
        %dma_start3A_88 = arith.constant 0 : i32
        %dma_start3A_89 = arith.constant 0 : i32
        %dma_start3A_90 = tpu.memref_slice %arg6[%dma_start3A_88, %dma_start3A_89] : memref<10000x128xf32, #tpu.memory_space<vmem_shared>> -> memref<10000x128xf32, #tpu.memory_space<vmem_shared>>
        tpu.enqueue_indirect_dma source(%arg9 : memref<80x128xf32, #tpu.memory_space<vmem>>) target(%dma_start3A_90 : memref<10000x128xf32, #tpu.memory_space<vmem_shared>>) offsets(%arg8 : memref<80xi32, #tpu.memory_space<vmem>>) semaphore(%run_scoped3A : memref<!tpu.dma_semaphore, #tpu.memory_space<semaphore_mem>>) {add = true}
        %dma_wait3A_91 = arith.constant 0 : i32
        %dma_wait3A_92 = arith.constant 0 : i32
        %dma_wait3A_93 = tpu.memref_slice %arg6[%dma_wait3A_91, %dma_wait3A_92] : memref<10000x128xf32, #tpu.memory_space<vmem_shared>> -> memref<10000x128xf32, #tpu.memory_space<vmem_shared>>
        tpu.wait_indirect_dma semaphore(%run_scoped3A : memref<!tpu.dma_semaphore, #tpu.memory_space<semaphore_mem>>) src(%arg9 : memref<80x128xf32, #tpu.memory_space<vmem>>) dst(%dma_wait3A_93 : memref<10000x128xf32, #tpu.memory_space<vmem_shared>>)
        tpu.yield
      }) : () -> ()
      %scan3A_87 = arith.constant 0 : i32
      scf.yield %scan3A_87 : i32
    }
    %scan3A_26 = arith.constant 125 : i32
    %barrier3A_27 = arith.constant 0 : index
    tpu.barrier barrier_id(%barrier3A_27)
    %mul3A_28 = arith.constant 624 : i32
    %mul3A_29 = arith.muli %arg1, %mul3A_28 : i32
    %add3A = arith.addi %mul3A_19, %mul3A_29 : i32
    "tpu.region"() ({
      %run_scoped3A = tpu.sem_alloc : memref<!tpu.dma_semaphore, #tpu.memory_space<semaphore_mem>>
      %dma_start3A = arith.constant 0 : i32
      %dma_start3A_35 = tpu.memref_slice %arg5[%add3A, %dma_start3A] : memref<20000x128xf32, #tpu.memory_space<hbm>> -> memref<624x128xf32, #tpu.memory_space<hbm>>
      %dma_start3A_36 = arith.constant 0 : i32
      %dma_start3A_37 = tpu.memref_slice %arg6[%mul3A_29, %dma_start3A_36] : memref<10000x128xf32, #tpu.memory_space<vmem_shared>> -> memref<624x128xf32, #tpu.memory_space<vmem_shared>>
      tpu.enqueue_dma source(%dma_start3A_37 : memref<624x128xf32, #tpu.memory_space<vmem_shared>>) target(%dma_start3A_35 : memref<624x128xf32, #tpu.memory_space<hbm>>) target_semaphore(%run_scoped3A : memref<!tpu.dma_semaphore, #tpu.memory_space<semaphore_mem>>)
      %dma_wait3A = arith.constant 0 : i32
      %dma_wait3A_38 = tpu.memref_slice %arg5[%add3A, %dma_wait3A] : memref<20000x128xf32, #tpu.memory_space<hbm>> -> memref<624x128xf32, #tpu.memory_space<hbm>>
      %dma_wait3A_39 = arith.constant 0 : i32
      %dma_wait3A_40 = tpu.memref_slice %arg6[%mul3A_29, %dma_wait3A_39] : memref<10000x128xf32, #tpu.memory_space<vmem_shared>> -> memref<624x128xf32, #tpu.memory_space<vmem_shared>>
      tpu.wait_dma2 semaphore(%run_scoped3A : memref<!tpu.dma_semaphore, #tpu.memory_space<semaphore_mem>>) src(%dma_wait3A_40 : memref<624x128xf32, #tpu.memory_space<vmem_shared>>) dst(%dma_wait3A_38 : memref<624x128xf32, #tpu.memory_space<hbm>>)
      tpu.yield
    }) : () -> ()
    %eq3A_30 = arith.constant 0 : i32
    %eq3A_31 = arith.cmpi eq, %arg1, %eq3A_30 : i32
    %convert_element_type3A_32 = arith.extui %eq3A_31 : i1 to i32
    %cond3A_33 = arith.constant 0 : i32
    %cond3A_34 = arith.cmpi ne, %convert_element_type3A_32, %cond3A_33 : i32
    scf.if %cond3A_34 {
      %add3A_35 = arith.constant 9984 : i32
      %add3A_36 = arith.addi %mul3A_19, %add3A_35 : i32
      "tpu.region"() ({
        %run_scoped3A = tpu.sem_alloc : memref<!tpu.dma_semaphore, #tpu.memory_space<semaphore_mem>>
        %dma_start3A = arith.constant 0 : i32
        %dma_start3A_37 = tpu.memref_slice %arg5[%add3A_36, %dma_start3A] : memref<20000x128xf32, #tpu.memory_space<hbm>> -> memref<16x128xf32, #tpu.memory_space<hbm>>
        %dma_start3A_38 = arith.constant 9984 : i32
        %dma_start3A_39 = arith.constant 0 : i32
        %dma_start3A_40 = tpu.memref_slice %arg6[%dma_start3A_38, %dma_start3A_39] : memref<10000x128xf32, #tpu.memory_space<vmem_shared>> -> memref<16x128xf32, #tpu.memory_space<vmem_shared>>
        tpu.enqueue_dma source(%dma_start3A_40 : memref<16x128xf32, #tpu.memory_space<vmem_shared>>) target(%dma_start3A_37 : memref<16x128xf32, #tpu.memory_space<hbm>>) target_semaphore(%run_scoped3A : memref<!tpu.dma_semaphore, #tpu.memory_space<semaphore_mem>>)
        %dma_wait3A = arith.constant 0 : i32
        %dma_wait3A_41 = tpu.memref_slice %arg5[%add3A_36, %dma_wait3A] : memref<20000x128xf32, #tpu.memory_space<hbm>> -> memref<16x128xf32, #tpu.memory_space<hbm>>
        %dma_wait3A_42 = arith.constant 9984 : i32
        %dma_wait3A_43 = arith.constant 0 : i32
        %dma_wait3A_44 = tpu.memref_slice %arg6[%dma_wait3A_42, %dma_wait3A_43] : memref<10000x128xf32, #tpu.memory_space<vmem_shared>> -> memref<16x128xf32, #tpu.memory_space<vmem_shared>>
        tpu.wait_dma2 semaphore(%run_scoped3A : memref<!tpu.dma_semaphore, #tpu.memory_space<semaphore_mem>>) src(%dma_wait3A_44 : memref<16x128xf32, #tpu.memory_space<vmem_shared>>) dst(%dma_wait3A_41 : memref<16x128xf32, #tpu.memory_space<hbm>>)
        tpu.yield
      }) : () -> ()
    } else {
    }
    return
  }
}

#map = affine_map<(d0, d1) -> (0, 0)>
#map1 = affine_map<(d0, d1) -> (0)>
module attributes {stable_mosaic.version = 14 : i64} {
  func.func @sc_segment_sum(%arg0: i32, %arg1: i32, %arg2: memref<20000x128xf32, #tpu.memory_space<hbm>>, %arg3: memref<160000xi32, #tpu.memory_space<hbm>>, %arg4: memref<160000xi32, #tpu.memory_space<hbm>>, %arg5: memref<20000x128xf32, #tpu.memory_space<hbm>>, %arg6: memref<10000x128xf32, #tpu.memory_space<vmem_shared>>, %arg7: memref<80xi32, #tpu.memory_space<vmem>>, %arg8: memref<80xi32, #tpu.memory_space<vmem>>, %arg9: memref<80x128xf32, #tpu.memory_space<vmem>>, %arg10: memref<16x128xf32, #tpu.memory_space<vmem>>, %arg11: memref<!tpu.dma_semaphore, #tpu.memory_space<semaphore_mem>>) attributes {dimension_semantics = [#tpu.dimension_semantics<core_parallel>, #tpu.dimension_semantics<subcore_parallel>], iteration_bounds = array<i64: 2, 16>, scalar_prefetch = 0 : i64, scratch_operands = 6 : i64, tpu.core_type = #tpu.core_type<sc_vector_subcore>, window_params = [{transform_indices = #map}, {transform_indices = #map1}, {transform_indices = #map1}, {transform_indices = #map}]} {
    %scan3A = arith.constant 0 : i32
    %scan3A_0 = arith.constant 0 : i32
    %scan3A_1 = arith.constant 128 : i32
    %scan3A_2 = arith.addi %scan3A_0, %scan3A_1 : i32
    %scan3A_3 = arith.constant 1 : i32
    %scan3A_4 = scf.for %scan3A_35 = %scan3A_0 to %scan3A_2 step %scan3A_3 iter_args(%scan3A_36 = %scan3A) -> (i32)  : i32 {
      %broadcast_in_dim3A = arith.constant 0.000000e+00 : f32
      %broadcast_in_dim3A_37 = vector.broadcast %broadcast_in_dim3A : f32 to vector<16xf32>
      %jit3A = arith.constant 8 : i32
      %div3A = arith.divsi %scan3A_35, %jit3A : i32
      %sign3A = arith.constant 0 : i32
      %sign3A_38 = arith.cmpi sgt, %scan3A_35, %sign3A : i32
      %sign3A_39 = arith.extui %sign3A_38 : i1 to i32
      %sign3A_40 = arith.constant 0 : i32
      %sign3A_41 = arith.cmpi slt, %scan3A_35, %sign3A_40 : i32
      %sign3A_42 = arith.extui %sign3A_41 : i1 to i32
      %sign3A_43 = arith.subi %sign3A_39, %sign3A_42 : i32
      %sign3A_44 = arith.constant 0 : i32
      %sign3A_45 = arith.cmpi sgt, %jit3A, %sign3A_44 : i32
      %sign3A_46 = arith.extui %sign3A_45 : i1 to i32
      %sign3A_47 = arith.constant 0 : i32
      %sign3A_48 = arith.cmpi slt, %jit3A, %sign3A_47 : i32
      %sign3A_49 = arith.extui %sign3A_48 : i1 to i32
      %sign3A_50 = arith.subi %sign3A_46, %sign3A_49 : i32
      %ne3A = arith.cmpi ne, %sign3A_43, %sign3A_50 : i32
      %rem3A = arith.remsi %scan3A_35, %jit3A : i32
      %ne3A_51 = arith.constant 0 : i32
      %ne3A_52 = arith.cmpi ne, %rem3A, %ne3A_51 : i32
      %and3A = arith.andi %ne3A, %ne3A_52 : i1
      %sub3A = arith.constant 1 : i32
      %sub3A_53 = arith.subi %div3A, %sub3A : i32
      %select_n3A = arith.select %and3A, %sub3A_53, %div3A : i32
      %jit3A_54 = arith.constant 8 : i32
      %eq3A_55 = arith.constant 0 : i32
      %eq3A_56 = arith.cmpi eq, %jit3A_54, %eq3A_55 : i32
      %jit3A_57 = arith.constant 1 : i32
      %select_n3A_58 = arith.select %eq3A_56, %jit3A_57, %jit3A_54 : i32
      %rem3A_59 = arith.remsi %scan3A_35, %select_n3A_58 : i32
      %ne3A_60 = arith.constant 0 : i32
      %ne3A_61 = arith.cmpi ne, %rem3A_59, %ne3A_60 : i32
      %lt3A = arith.constant 0 : i32
      %lt3A_62 = arith.cmpi slt, %rem3A_59, %lt3A : i32
      %lt3A_63 = arith.constant 0 : i32
      %lt3A_64 = arith.cmpi slt, %select_n3A_58, %lt3A_63 : i32
      %ne3A_65 = arith.xori %lt3A_62, %lt3A_64 : i1
      %and3A_66 = arith.andi %ne3A_65, %ne3A_61 : i1
      %add3A_67 = arith.addi %rem3A_59, %select_n3A_58 : i32
      %select_n3A_68 = arith.select %and3A_66, %add3A_67, %rem3A_59 : i32
      %mul3A_69 = arith.constant 16 : i32
      %mul3A_70 = arith.muli %select_n3A_68, %mul3A_69 : i32
      %swap3A = arith.index_cast %select_n3A : i32 to index
      %swap3A_71 = arith.index_cast %mul3A_70 : i32 to index
      %swap3A_72 = tpu.vector_load %arg10[%swap3A, %swap3A_71] {strides = array<i32>} : memref<16x128xf32, #tpu.memory_space<vmem>>, vector<1x16xf32>,
      %swap3A_73 = vector.shape_cast %swap3A_72 : vector<1x16xf32> to vector<16xf32>
      %swap3A_74 = vector.shape_cast %broadcast_in_dim3A_37 : vector<16xf32> to vector<1x16xf32>
      tpu.vector_store %arg10[%swap3A, %swap3A_71], %swap3A_74 {strides = array<i32>} : memref<16x128xf32, #tpu.memory_space<vmem>>, vector<1x16xf32>,
      %scan3A_75 = arith.constant 0 : i32
      scf.yield %scan3A_75 : i32
    }
    %scan3A_5 = arith.constant 128 : i32
    %mul3A = arith.constant 624 : i32
    %mul3A_6 = arith.muli %arg1, %mul3A : i32
    %scan3A_7 = arith.constant 0 : i32
    %scan3A_8 = arith.constant 0 : i32
    %scan3A_9 = arith.constant 39 : i32
    %scan3A_10 = arith.addi %scan3A_8, %scan3A_9 : i32
    %scan3A_11 = arith.constant 1 : i32
    %scan3A_12 = scf.for %scan3A_35 = %scan3A_8 to %scan3A_10 step %scan3A_11 iter_args(%scan3A_36 = %scan3A_7) -> (i32)  : i32 {
      %mul3A_37 = arith.constant 16 : i32
      %mul3A_38 = arith.muli %scan3A_35, %mul3A_37 : i32
      %add3A_39 = arith.addi %mul3A_6, %mul3A_38 : i32
      "tpu.region"() ({
        %run_scoped3A = tpu.sem_alloc : memref<!tpu.dma_semaphore, #tpu.memory_space<semaphore_mem>>
        %dma_start3A = arith.constant 0 : i32
        %dma_start3A_41 = tpu.memref_slice %arg6[%add3A_39, %dma_start3A] : memref<10000x128xf32, #tpu.memory_space<vmem_shared>> -> memref<16x128xf32, #tpu.memory_space<vmem_shared>>
        %dma_start3A_42 = arith.constant 0 : i32
        %dma_start3A_43 = tpu.memref_slice %arg6[%add3A_39, %dma_start3A_42] : memref<10000x128xf32, #tpu.memory_space<vmem_shared>> -> memref<16x128xf32, #tpu.memory_space<vmem_shared>>
        tpu.enqueue_dma source(%arg10 : memref<16x128xf32, #tpu.memory_space<vmem>>) target(%dma_start3A_43 : memref<16x128xf32, #tpu.memory_space<vmem_shared>>) target_semaphore(%run_scoped3A : memref<!tpu.dma_semaphore, #tpu.memory_space<semaphore_mem>>)
        %dma_wait3A = arith.constant 0 : i32
        %dma_wait3A_44 = tpu.memref_slice %arg6[%add3A_39, %dma_wait3A] : memref<10000x128xf32, #tpu.memory_space<vmem_shared>> -> memref<16x128xf32, #tpu.memory_space<vmem_shared>>
        %dma_wait3A_45 = arith.constant 0 : i32
        %dma_wait3A_46 = tpu.memref_slice %arg6[%add3A_39, %dma_wait3A_45] : memref<10000x128xf32, #tpu.memory_space<vmem_shared>> -> memref<16x128xf32, #tpu.memory_space<vmem_shared>>
        tpu.wait_dma2 semaphore(%run_scoped3A : memref<!tpu.dma_semaphore, #tpu.memory_space<semaphore_mem>>) src(%arg10 : memref<16x128xf32, #tpu.memory_space<vmem>>) dst(%dma_wait3A_46 : memref<16x128xf32, #tpu.memory_space<vmem_shared>>)
        tpu.yield
      }) : () -> ()
      %scan3A_40 = arith.constant 0 : i32
      scf.yield %scan3A_40 : i32
    }
    %scan3A_13 = arith.constant 39 : i32
    %eq3A = arith.constant 0 : i32
    %eq3A_14 = arith.cmpi eq, %arg1, %eq3A : i32
    %convert_element_type3A = arith.extui %eq3A_14 : i1 to i32
    %cond3A = arith.constant 0 : i32
    %cond3A_15 = arith.cmpi ne, %convert_element_type3A, %cond3A : i32
    scf.if %cond3A_15 {
      "tpu.region"() ({
        %run_scoped3A = tpu.sem_alloc : memref<!tpu.dma_semaphore, #tpu.memory_space<semaphore_mem>>
        %dma_start3A = arith.constant 9984 : i32
        %dma_start3A_35 = arith.constant 0 : i32
        %dma_start3A_36 = tpu.memref_slice %arg6[%dma_start3A, %dma_start3A_35] : memref<10000x128xf32, #tpu.memory_space<vmem_shared>> -> memref<16x128xf32, #tpu.memory_space<vmem_shared>>
        %dma_start3A_37 = arith.constant 9984 : i32
        %dma_start3A_38 = arith.constant 0 : i32
        %dma_start3A_39 = tpu.memref_slice %arg6[%dma_start3A_37, %dma_start3A_38] : memref<10000x128xf32, #tpu.memory_space<vmem_shared>> -> memref<16x128xf32, #tpu.memory_space<vmem_shared>>
        tpu.enqueue_dma source(%arg10 : memref<16x128xf32, #tpu.memory_space<vmem>>) target(%dma_start3A_39 : memref<16x128xf32, #tpu.memory_space<vmem_shared>>) target_semaphore(%run_scoped3A : memref<!tpu.dma_semaphore, #tpu.memory_space<semaphore_mem>>)
        %dma_wait3A = arith.constant 9984 : i32
        %dma_wait3A_40 = arith.constant 0 : i32
        %dma_wait3A_41 = tpu.memref_slice %arg6[%dma_wait3A, %dma_wait3A_40] : memref<10000x128xf32, #tpu.memory_space<vmem_shared>> -> memref<16x128xf32, #tpu.memory_space<vmem_shared>>
        %dma_wait3A_42 = arith.constant 9984 : i32
        %dma_wait3A_43 = arith.constant 0 : i32
        %dma_wait3A_44 = tpu.memref_slice %arg6[%dma_wait3A_42, %dma_wait3A_43] : memref<10000x128xf32, #tpu.memory_space<vmem_shared>> -> memref<16x128xf32, #tpu.memory_space<vmem_shared>>
        tpu.wait_dma2 semaphore(%run_scoped3A : memref<!tpu.dma_semaphore, #tpu.memory_space<semaphore_mem>>) src(%arg10 : memref<16x128xf32, #tpu.memory_space<vmem>>) dst(%dma_wait3A_44 : memref<16x128xf32, #tpu.memory_space<vmem_shared>>)
        tpu.yield
      }) : () -> ()
    } else {
    }
    %barrier3A = arith.constant 0 : index
    tpu.barrier barrier_id(%barrier3A)
    %mul3A_16 = arith.constant 10000 : i32
    %mul3A_17 = arith.muli %arg1, %mul3A_16 : i32
    %mul3A_18 = arith.constant 10000 : i32
    %mul3A_19 = arith.muli %arg0, %mul3A_18 : i32
    %scan3A_20 = arith.constant 0 : i32
    %scan3A_21 = arith.constant 0 : i32
    %scan3A_22 = arith.constant 125 : i32
    %scan3A_23 = arith.addi %scan3A_21, %scan3A_22 : i32
    %scan3A_24 = arith.constant 1 : i32
    %scan3A_25 = scf.for %scan3A_35 = %scan3A_21 to %scan3A_23 step %scan3A_24 iter_args(%scan3A_36 = %scan3A_20) -> (i32)  : i32 {
      %mul3A_37 = arith.constant 80 : i32
      %mul3A_38 = arith.muli %scan3A_35, %mul3A_37 : i32
      %add3A_39 = arith.addi %mul3A_17, %mul3A_38 : i32
      "tpu.region"() ({
        %run_scoped3A = tpu.sem_alloc : memref<!tpu.dma_semaphore, #tpu.memory_space<semaphore_mem>>
        %dma_start3A_88 = tpu.memref_slice %arg3[%add3A_39] : memref<160000xi32, #tpu.memory_space<hbm>> -> memref<80xi32, #tpu.memory_space<hbm>>
        %dma_start3A_89 = tpu.memref_slice %arg3[%add3A_39] : memref<160000xi32, #tpu.memory_space<hbm>> -> memref<80xi32, #tpu.memory_space<hbm>>
        tpu.enqueue_dma source(%dma_start3A_89 : memref<80xi32, #tpu.memory_space<hbm>>) target(%arg7 : memref<80xi32, #tpu.memory_space<vmem>>) target_semaphore(%run_scoped3A : memref<!tpu.dma_semaphore, #tpu.memory_space<semaphore_mem>>)
        %dma_wait3A_90 = tpu.memref_slice %arg3[%add3A_39] : memref<160000xi32, #tpu.memory_space<hbm>> -> memref<80xi32, #tpu.memory_space<hbm>>
        %dma_wait3A_91 = tpu.memref_slice %arg3[%add3A_39] : memref<160000xi32, #tpu.memory_space<hbm>> -> memref<80xi32, #tpu.memory_space<hbm>>
        tpu.wait_dma2 semaphore(%run_scoped3A : memref<!tpu.dma_semaphore, #tpu.memory_space<semaphore_mem>>) src(%dma_wait3A_91 : memref<80xi32, #tpu.memory_space<hbm>>) dst(%arg7 : memref<80xi32, #tpu.memory_space<vmem>>)
        tpu.yield
      }) : () -> ()
      "tpu.region"() ({
        %run_scoped3A = tpu.sem_alloc : memref<!tpu.dma_semaphore, #tpu.memory_space<semaphore_mem>>
        %dma_start3A_88 = tpu.memref_slice %arg4[%add3A_39] : memref<160000xi32, #tpu.memory_space<hbm>> -> memref<80xi32, #tpu.memory_space<hbm>>
        %dma_start3A_89 = tpu.memref_slice %arg4[%add3A_39] : memref<160000xi32, #tpu.memory_space<hbm>> -> memref<80xi32, #tpu.memory_space<hbm>>
        tpu.enqueue_dma source(%dma_start3A_89 : memref<80xi32, #tpu.memory_space<hbm>>) target(%arg8 : memref<80xi32, #tpu.memory_space<vmem>>) target_semaphore(%run_scoped3A : memref<!tpu.dma_semaphore, #tpu.memory_space<semaphore_mem>>)
        %dma_wait3A_90 = tpu.memref_slice %arg4[%add3A_39] : memref<160000xi32, #tpu.memory_space<hbm>> -> memref<80xi32, #tpu.memory_space<hbm>>
        %dma_wait3A_91 = tpu.memref_slice %arg4[%add3A_39] : memref<160000xi32, #tpu.memory_space<hbm>> -> memref<80xi32, #tpu.memory_space<hbm>>
        tpu.wait_dma2 semaphore(%run_scoped3A : memref<!tpu.dma_semaphore, #tpu.memory_space<semaphore_mem>>) src(%dma_wait3A_91 : memref<80xi32, #tpu.memory_space<hbm>>) dst(%arg8 : memref<80xi32, #tpu.memory_space<vmem>>)
        tpu.yield
      }) : () -> ()
      %get3A = arith.constant 0 : index
      %get3A_40 = tpu.vector_load %arg7[%get3A] {strides = array<i32>} : memref<80xi32, #tpu.memory_space<vmem>>, vector<16xi32>,
      %get3A_41 = vector.shape_cast %get3A_40 : vector<16xi32> to vector<16xi32>
      %add3A_42 = vector.broadcast %mul3A_19 : i32 to vector<16xi32>
      %add3A_43 = arith.addi %get3A_41, %add3A_42 : vector<16xi32>
      %swap3A = arith.constant 0 : index
      %swap3A_44 = tpu.vector_load %arg7[%swap3A] {strides = array<i32>} : memref<80xi32, #tpu.memory_space<vmem>>, vector<16xi32>,
      %swap3A_45 = vector.shape_cast %swap3A_44 : vector<16xi32> to vector<16xi32>
      %swap3A_46 = vector.shape_cast %add3A_43 : vector<16xi32> to vector<16xi32>
      tpu.vector_store %arg7[%swap3A], %swap3A_46 {strides = array<i32>} : memref<80xi32, #tpu.memory_space<vmem>>, vector<16xi32>,
      %get3A_47 = arith.constant 16 : index
      %get3A_48 = tpu.vector_load %arg7[%get3A_47] {strides = array<i32>} : memref<80xi32, #tpu.memory_space<vmem>>, vector<16xi32>,
      %get3A_49 = vector.shape_cast %get3A_48 : vector<16xi32> to vector<16xi32>
      %add3A_50 = vector.broadcast %mul3A_19 : i32 to vector<16xi32>
      %add3A_51 = arith.addi %get3A_49, %add3A_50 : vector<16xi32>
      %swap3A_52 = arith.constant 16 : index
      %swap3A_53 = tpu.vector_load %arg7[%swap3A_52] {strides = array<i32>} : memref<80xi32, #tpu.memory_space<vmem>>, vector<16xi32>,
      %swap3A_54 = vector.shape_cast %swap3A_53 : vector<16xi32> to vector<16xi32>
      %swap3A_55 = vector.shape_cast %add3A_51 : vector<16xi32> to vector<16xi32>
      tpu.vector_store %arg7[%swap3A_52], %swap3A_55 {strides = array<i32>} : memref<80xi32, #tpu.memory_space<vmem>>, vector<16xi32>,
      %get3A_56 = arith.constant 32 : index
      %get3A_57 = tpu.vector_load %arg7[%get3A_56] {strides = array<i32>} : memref<80xi32, #tpu.memory_space<vmem>>, vector<16xi32>,
      %get3A_58 = vector.shape_cast %get3A_57 : vector<16xi32> to vector<16xi32>
      %add3A_59 = vector.broadcast %mul3A_19 : i32 to vector<16xi32>
      %add3A_60 = arith.addi %get3A_58, %add3A_59 : vector<16xi32>
      %swap3A_61 = arith.constant 32 : index
      %swap3A_62 = tpu.vector_load %arg7[%swap3A_61] {strides = array<i32>} : memref<80xi32, #tpu.memory_space<vmem>>, vector<16xi32>,
      %swap3A_63 = vector.shape_cast %swap3A_62 : vector<16xi32> to vector<16xi32>
      %swap3A_64 = vector.shape_cast %add3A_60 : vector<16xi32> to vector<16xi32>
      tpu.vector_store %arg7[%swap3A_61], %swap3A_64 {strides = array<i32>} : memref<80xi32, #tpu.memory_space<vmem>>, vector<16xi32>,
      %get3A_65 = arith.constant 48 : index
      %get3A_66 = tpu.vector_load %arg7[%get3A_65] {strides = array<i32>} : memref<80xi32, #tpu.memory_space<vmem>>, vector<16xi32>,
      %get3A_67 = vector.shape_cast %get3A_66 : vector<16xi32> to vector<16xi32>
      %add3A_68 = vector.broadcast %mul3A_19 : i32 to vector<16xi32>
      %add3A_69 = arith.addi %get3A_67, %add3A_68 : vector<16xi32>
      %swap3A_70 = arith.constant 48 : index
      %swap3A_71 = tpu.vector_load %arg7[%swap3A_70] {strides = array<i32>} : memref<80xi32, #tpu.memory_space<vmem>>, vector<16xi32>,
      %swap3A_72 = vector.shape_cast %swap3A_71 : vector<16xi32> to vector<16xi32>
      %swap3A_73 = vector.shape_cast %add3A_69 : vector<16xi32> to vector<16xi32>
      tpu.vector_store %arg7[%swap3A_70], %swap3A_73 {strides = array<i32>} : memref<80xi32, #tpu.memory_space<vmem>>, vector<16xi32>,
      %get3A_74 = arith.constant 64 : index
      %get3A_75 = tpu.vector_load %arg7[%get3A_74] {strides = array<i32>} : memref<80xi32, #tpu.memory_space<vmem>>, vector<16xi32>,
      %get3A_76 = vector.shape_cast %get3A_75 : vector<16xi32> to vector<16xi32>
      %add3A_77 = vector.broadcast %mul3A_19 : i32 to vector<16xi32>
      %add3A_78 = arith.addi %get3A_76, %add3A_77 : vector<16xi32>
      %swap3A_79 = arith.constant 64 : index
      %swap3A_80 = tpu.vector_load %arg7[%swap3A_79] {strides = array<i32>} : memref<80xi32, #tpu.memory_space<vmem>>, vector<16xi32>,
      %swap3A_81 = vector.shape_cast %swap3A_80 : vector<16xi32> to vector<16xi32>
      %swap3A_82 = vector.shape_cast %add3A_78 : vector<16xi32> to vector<16xi32>
      tpu.vector_store %arg7[%swap3A_79], %swap3A_82 {strides = array<i32>} : memref<80xi32, #tpu.memory_space<vmem>>, vector<16xi32>,
      %dma_start3A = arith.constant 0 : i32
      %dma_start3A_83 = arith.constant 0 : i32
      %dma_start3A_84 = tpu.memref_slice %arg2[%dma_start3A, %dma_start3A_83] : memref<20000x128xf32, #tpu.memory_space<hbm>> -> memref<20000x128xf32, #tpu.memory_space<hbm>>
      tpu.enqueue_indirect_dma source(%dma_start3A_84 : memref<20000x128xf32, #tpu.memory_space<hbm>>) target(%arg9 : memref<80x128xf32, #tpu.memory_space<vmem>>) offsets(%arg7 : memref<80xi32, #tpu.memory_space<vmem>>) semaphore(%arg11 : memref<!tpu.dma_semaphore, #tpu.memory_space<semaphore_mem>>)
      %dma_wait3A = arith.constant 0 : i32
      %dma_wait3A_85 = arith.constant 0 : i32
      %dma_wait3A_86 = tpu.memref_slice %arg2[%dma_wait3A, %dma_wait3A_85] : memref<20000x128xf32, #tpu.memory_space<hbm>> -> memref<20000x128xf32, #tpu.memory_space<hbm>>
      tpu.wait_indirect_dma semaphore(%arg11 : memref<!tpu.dma_semaphore, #tpu.memory_space<semaphore_mem>>) src(%dma_wait3A_86 : memref<20000x128xf32, #tpu.memory_space<hbm>>) dst(%arg9 : memref<80x128xf32, #tpu.memory_space<vmem>>)
      "tpu.region"() ({
        %run_scoped3A = tpu.sem_alloc : memref<!tpu.dma_semaphore, #tpu.memory_space<semaphore_mem>>
        %dma_start3A_88 = arith.constant 0 : i32
        %dma_start3A_89 = arith.constant 0 : i32
        %dma_start3A_90 = tpu.memref_slice %arg6[%dma_start3A_88, %dma_start3A_89] : memref<10000x128xf32, #tpu.memory_space<vmem_shared>> -> memref<10000x128xf32, #tpu.memory_space<vmem_shared>>
        tpu.enqueue_indirect_dma source(%arg9 : memref<80x128xf32, #tpu.memory_space<vmem>>) target(%dma_start3A_90 : memref<10000x128xf32, #tpu.memory_space<vmem_shared>>) offsets(%arg8 : memref<80xi32, #tpu.memory_space<vmem>>) semaphore(%run_scoped3A : memref<!tpu.dma_semaphore, #tpu.memory_space<semaphore_mem>>) {add = true}
        %dma_wait3A_91 = arith.constant 0 : i32
        %dma_wait3A_92 = arith.constant 0 : i32
        %dma_wait3A_93 = tpu.memref_slice %arg6[%dma_wait3A_91, %dma_wait3A_92] : memref<10000x128xf32, #tpu.memory_space<vmem_shared>> -> memref<10000x128xf32, #tpu.memory_space<vmem_shared>>
        tpu.wait_indirect_dma semaphore(%run_scoped3A : memref<!tpu.dma_semaphore, #tpu.memory_space<semaphore_mem>>) src(%arg9 : memref<80x128xf32, #tpu.memory_space<vmem>>) dst(%dma_wait3A_93 : memref<10000x128xf32, #tpu.memory_space<vmem_shared>>)
        tpu.yield
      }) : () -> ()
      %scan3A_87 = arith.constant 0 : i32
      scf.yield %scan3A_87 : i32
    }
    %scan3A_26 = arith.constant 125 : i32
    %barrier3A_27 = arith.constant 0 : index
    tpu.barrier barrier_id(%barrier3A_27)
    %mul3A_28 = arith.constant 624 : i32
    %mul3A_29 = arith.muli %arg1, %mul3A_28 : i32
    %add3A = arith.addi %mul3A_19, %mul3A_29 : i32
    "tpu.region"() ({
      %run_scoped3A = tpu.sem_alloc : memref<!tpu.dma_semaphore, #tpu.memory_space<semaphore_mem>>
      %dma_start3A = arith.constant 0 : i32
      %dma_start3A_35 = tpu.memref_slice %arg5[%add3A, %dma_start3A] : memref<20000x128xf32, #tpu.memory_space<hbm>> -> memref<624x128xf32, #tpu.memory_space<hbm>>
      %dma_start3A_36 = arith.constant 0 : i32
      %dma_start3A_37 = tpu.memref_slice %arg6[%mul3A_29, %dma_start3A_36] : memref<10000x128xf32, #tpu.memory_space<vmem_shared>> -> memref<624x128xf32, #tpu.memory_space<vmem_shared>>
      tpu.enqueue_dma source(%dma_start3A_37 : memref<624x128xf32, #tpu.memory_space<vmem_shared>>) target(%dma_start3A_35 : memref<624x128xf32, #tpu.memory_space<hbm>>) target_semaphore(%run_scoped3A : memref<!tpu.dma_semaphore, #tpu.memory_space<semaphore_mem>>)
      %dma_wait3A = arith.constant 0 : i32
      %dma_wait3A_38 = tpu.memref_slice %arg5[%add3A, %dma_wait3A] : memref<20000x128xf32, #tpu.memory_space<hbm>> -> memref<624x128xf32, #tpu.memory_space<hbm>>
      %dma_wait3A_39 = arith.constant 0 : i32
      %dma_wait3A_40 = tpu.memref_slice %arg6[%mul3A_29, %dma_wait3A_39] : memref<10000x128xf32, #tpu.memory_space<vmem_shared>> -> memref<624x128xf32, #tpu.memory_space<vmem_shared>>
      tpu.wait_dma2 semaphore(%run_scoped3A : memref<!tpu.dma_semaphore, #tpu.memory_space<semaphore_mem>>) src(%dma_wait3A_40 : memref<624x128xf32, #tpu.memory_space<vmem_shared>>) dst(%dma_wait3A_38 : memref<624x128xf32, #tpu.memory_space<hbm>>)
      tpu.yield
    }) : () -> ()
    %eq3A_30 = arith.constant 0 : i32
    %eq3A_31 = arith.cmpi eq, %arg1, %eq3A_30 : i32
    %convert_element_type3A_32 = arith.extui %eq3A_31 : i1 to i32
    %cond3A_33 = arith.constant 0 : i32
    %cond3A_34 = arith.cmpi ne, %convert_element_type3A_32, %cond3A_33 : i32
    scf.if %cond3A_34 {
      %add3A_35 = arith.constant 9984 : i32
      %add3A_36 = arith.addi %mul3A_19, %add3A_35 : i32
      "tpu.region"() ({
        %run_scoped3A = tpu.sem_alloc : memref<!tpu.dma_semaphore, #tpu.memory_space<semaphore_mem>>
        %dma_start3A = arith.constant 0 : i32
        %dma_start3A_37 = tpu.memref_slice %arg5[%add3A_36, %dma_start3A] : memref<20000x128xf32, #tpu.memory_space<hbm>> -> memref<16x128xf32, #tpu.memory_space<hbm>>
        %dma_start3A_38 = arith.constant 9984 : i32
        %dma_start3A_39 = arith.constant 0 : i32
        %dma_start3A_40 = tpu.memref_slice %arg6[%dma_start3A_38, %dma_start3A_39] : memref<10000x128xf32, #tpu.memory_space<vmem_shared>> -> memref<16x128xf32, #tpu.memory_space<vmem_shared>>
        tpu.enqueue_dma source(%dma_start3A_40 : memref<16x128xf32, #tpu.memory_space<vmem_shared>>) target(%dma_start3A_37 : memref<16x128xf32, #tpu.memory_space<hbm>>) target_semaphore(%run_scoped3A : memref<!tpu.dma_semaphore, #tpu.memory_space<semaphore_mem>>)
        %dma_wait3A = arith.constant 0 : i32
        %dma_wait3A_41 = tpu.memref_slice %arg5[%add3A_36, %dma_wait3A] : memref<20000x128xf32, #tpu.memory_space<hbm>> -> memref<16x128xf32, #tpu.memory_space<hbm>>
        %dma_wait3A_42 = arith.constant 9984 : i32
        %dma_wait3A_43 = arith.constant 0 : i32
        %dma_wait3A_44 = tpu.memref_slice %arg6[%dma_wait3A_42, %dma_wait3A_43] : memref<10000x128xf32, #tpu.memory_space<vmem_shared>> -> memref<16x128xf32, #tpu.memory_space<vmem_shared>>
        tpu.wait_dma2 semaphore(%run_scoped3A : memref<!tpu.dma_semaphore, #tpu.memory_space<semaphore_mem>>) src(%dma_wait3A_44 : memref<16x128xf32, #tpu.memory_space<vmem_shared>>) dst(%dma_wait3A_41 : memref<16x128xf32, #tpu.memory_space<hbm>>)
        tpu.yield
      }) : () -> ()
    } else {
    }
    return
  }
}

module attributes {stable_mosaic.version = 14 : i64} {
  func.func @_tc_layer_body(%arg0: i32, %arg1: i32, %arg2: memref<1000x128xf32, #tpu.memory_space<vmem>>, %arg3: memref<1000x128xf32, #tpu.memory_space<vmem>>, %arg4: memref<1000x128xf32, #tpu.memory_space<vmem>>, %arg5: memref<1000x128xf32, #tpu.memory_space<vmem>>, %arg6: memref<1000x128xf32, #tpu.memory_space<vmem>>, %arg7: memref<1000x128xf32, #tpu.memory_space<vmem>>, %arg8: memref<256x128xf32, #tpu.memory_space<vmem>>, %arg9: memref<256x128xf32, #tpu.memory_space<vmem>>, %arg10: memref<1x128xf32, #tpu.memory_space<vmem>>, %arg11: memref<1000x128xf32, #tpu.memory_space<vmem>>) attributes {dimension_semantics = [#tpu.dimension_semantics<arbitrary>, #tpu.dimension_semantics<arbitrary>], iteration_bounds = array<i64: 2, 10>, scalar_prefetch = 0 : i64, scratch_operands = 0 : i64, tpu.core_type = #tpu.core_type<tc>, window_params = [{transform_indices = @transform_0, window_bounds = array<i64: 1000, 128>}, {transform_indices = @transform_1, window_bounds = array<i64: 1000, 128>}, {transform_indices = @transform_2, window_bounds = array<i64: 1000, 128>}, {transform_indices = @transform_3, window_bounds = array<i64: 1000, 128>}, {transform_indices = @transform_4, window_bounds = array<i64: 1000, 128>}, {transform_indices = @transform_5, window_bounds = array<i64: 1000, 128>}, {transform_indices = @transform_6, window_bounds = array<i64: 256, 128>}, {transform_indices = @transform_7, window_bounds = array<i64: 256, 128>}, {transform_indices = @transform_8, window_bounds = array<i64: 1, 128>}, {transform_indices = @transform_9, window_bounds = array<i64: 1000, 128>}]} {
    %get3A = arith.constant 0 : index
    %get3A_0 = arith.constant 0 : index
    %get3A_1 = vector.load %arg4[%get3A, %get3A_0] : memref<1000x128xf32, #tpu.memory_space<vmem>>, vector<1000x1xf32>
    %get3A_2 = arith.constant 0 : index
    %get3A_3 = arith.constant 0 : index
    %get3A_4 = vector.load %arg5[%get3A_2, %get3A_3] : memref<1000x128xf32, #tpu.memory_space<vmem>>, vector<1000x1xf32>
    %add3A = arith.addf %get3A_1, %get3A_4 : vector<1000x1xf32>
    %max3A = arith.constant 1.000000e+00 : f32
    %max3A_5 = vector.broadcast %max3A : f32 to vector<1000x1xf32>
    %max3A_6 = arith.maximumf %add3A, %max3A_5 : vector<1000x1xf32>
    %div3A = arith.constant 1.000000e+00 : f32
    %div3A_7 = vector.broadcast %div3A : f32 to vector<1000x1xf32>
    %div3A_8 = arith.divf %div3A_7, %max3A_6 : vector<1000x1xf32>
    %get3A_9 = arith.constant 0 : index
    %get3A_10 = arith.constant 0 : index
    %get3A_11 = vector.load %arg2[%get3A_9, %get3A_10] : memref<1000x128xf32, #tpu.memory_space<vmem>>, vector<1000x128xf32>
    %get3A_12 = arith.constant 0 : index
    %get3A_13 = arith.constant 0 : index
    %get3A_14 = vector.load %arg3[%get3A_12, %get3A_13] : memref<1000x128xf32, #tpu.memory_space<vmem>>, vector<1000x128xf32>
    %concatenate3A = tpu.concatenate %get3A_11, %get3A_14 in 1 : vector<1000x128xf32>, vector<1000x128xf32> -> vector<1000x256xf32>
    %mul3A = vector.broadcast %div3A_8 : vector<1000x1xf32> to vector<1000x256xf32>
    %mul3A_15 = arith.mulf %concatenate3A, %mul3A : vector<1000x256xf32>
    %get3A_16 = arith.constant 0 : index
    %get3A_17 = arith.constant 0 : index
    %get3A_18 = vector.load %arg6[%get3A_16, %get3A_17] : memref<1000x128xf32, #tpu.memory_space<vmem>>, vector<1000x128xf32>
    %get3A_19 = arith.constant 0 : index
    %get3A_20 = arith.constant 0 : index
    %get3A_21 = vector.load %arg7[%get3A_19, %get3A_20] : memref<1000x128xf32, #tpu.memory_space<vmem>>, vector<1000x128xf32>
    %concatenate3A_22 = tpu.concatenate %get3A_18, %get3A_21 in 1 : vector<1000x128xf32>, vector<1000x128xf32> -> vector<1000x256xf32>
    %get3A_23 = arith.constant 0 : index
    %get3A_24 = arith.constant 0 : index
    %get3A_25 = vector.load %arg8[%get3A_23, %get3A_24] : memref<256x128xf32, #tpu.memory_space<vmem>>, vector<256x128xf32>
    %dot_general3A = arith.constant dense<0.000000e+00> : vector<1000x128xf32>
    %dot_general3A_26 = tpu.matmul %mul3A_15, %get3A_25, %dot_general3A {dimension_numbers = #tpu.dot_dimension_numbers<[1], [0], [0], [1], [0, 0, 1, 1], [], []>, transpose_lhs_hint = false} : vector<1000x256xf32>, vector<256x128xf32>, vector<1000x128xf32> -> vector<1000x128xf32>
    %get3A_27 = arith.constant 0 : index
    %get3A_28 = arith.constant 0 : index
    %get3A_29 = vector.load %arg9[%get3A_27, %get3A_28] : memref<256x128xf32, #tpu.memory_space<vmem>>, vector<256x128xf32>
    %dot_general3A_30 = arith.constant dense<0.000000e+00> : vector<1000x128xf32>
    %dot_general3A_31 = tpu.matmul %concatenate3A_22, %get3A_29, %dot_general3A_30 {dimension_numbers = #tpu.dot_dimension_numbers<[1], [0], [0], [1], [0, 0, 1, 1], [], []>, transpose_lhs_hint = false} : vector<1000x256xf32>, vector<256x128xf32>, vector<1000x128xf32> -> vector<1000x128xf32>
    %add3A_32 = arith.addf %dot_general3A_26, %dot_general3A_31 : vector<1000x128xf32>
    %get3A_33 = arith.constant 0 : index
    %get3A_34 = arith.constant 0 : index
    %get3A_35 = vector.load %arg10[%get3A_33, %get3A_34] : memref<1x128xf32, #tpu.memory_space<vmem>>, vector<1x128xf32>
    %add3A_36 = vector.broadcast %get3A_35 : vector<1x128xf32> to vector<1000x128xf32>
    %add3A_37 = arith.addf %add3A_32, %add3A_36 : vector<1000x128xf32>
    %max3A_38 = arith.constant 0.000000e+00 : f32
    %max3A_39 = vector.broadcast %max3A_38 : f32 to vector<1000x128xf32>
    %max3A_40 = arith.maximumf %add3A_37, %max3A_39 : vector<1000x128xf32>
    %swap3A = arith.constant 0 : index
    %swap3A_41 = arith.constant 0 : index
    %swap3A_42 = vector.load %arg11[%swap3A, %swap3A_41] : memref<1000x128xf32, #tpu.memory_space<vmem>>, vector<1000x128xf32>
    tpu.vector_store %arg11[%swap3A, %swap3A_41], %max3A_40 {strides = array<i32>} : memref<1000x128xf32, #tpu.memory_space<vmem>>, vector<1000x128xf32>,
    return
  }
  func.func @transform_0(%arg0: i32, %arg1: i32) -> (i32, i32) {
    %c0_i32 = arith.constant 0 : i32
    %c0_i32_0 = arith.constant 0 : i32
    return %arg1, %c0_i32 : i32, i32
  }
  func.func @transform_1(%arg0: i32, %arg1: i32) -> (i32, i32) {
    %add3A = arith.constant 10 : i32
    %add3A_0 = arith.addi %arg1, %add3A : i32
    %c0_i32 = arith.constant 0 : i32
    %c0_i32_1 = arith.constant 0 : i32
    return %add3A_0, %c0_i32 : i32, i32
  }
  func.func @transform_2(%arg0: i32, %arg1: i32) -> (i32, i32) {
    %c0_i32 = arith.constant 0 : i32
    %c0_i32_0 = arith.constant 0 : i32
    return %arg1, %c0_i32 : i32, i32
  }
  func.func @transform_3(%arg0: i32, %arg1: i32) -> (i32, i32) {
    %add3A = arith.constant 10 : i32
    %add3A_0 = arith.addi %arg1, %add3A : i32
    %c0_i32 = arith.constant 0 : i32
    %c0_i32_1 = arith.constant 0 : i32
    return %add3A_0, %c0_i32 : i32, i32
  }
  func.func @transform_4(%arg0: i32, %arg1: i32) -> (i32, i32) {
    %c0_i32 = arith.constant 0 : i32
    %c0_i32_0 = arith.constant 0 : i32
    return %arg1, %c0_i32 : i32, i32
  }
  func.func @transform_5(%arg0: i32, %arg1: i32) -> (i32, i32) {
    %add3A = arith.constant 10 : i32
    %add3A_0 = arith.addi %arg1, %add3A : i32
    %c0_i32 = arith.constant 0 : i32
    %c0_i32_1 = arith.constant 0 : i32
    return %add3A_0, %c0_i32 : i32, i32
  }
  func.func @transform_6(%arg0: i32, %arg1: i32) -> (i32, i32) {
    %c0_i32 = arith.constant 0 : i32
    %c0_i32_0 = arith.constant 0 : i32
    return %c0_i32, %arg0 : i32, i32
  }
  func.func @transform_7(%arg0: i32, %arg1: i32) -> (i32, i32) {
    %c0_i32 = arith.constant 0 : i32
    %c0_i32_0 = arith.constant 0 : i32
    return %c0_i32, %arg0 : i32, i32
  }
  func.func @transform_8(%arg0: i32, %arg1: i32) -> (i32, i32) {
    %c0_i32 = arith.constant 0 : i32
    %c0_i32_0 = arith.constant 0 : i32
    return %c0_i32, %arg0 : i32, i32
  }
  func.func @transform_9(%arg0: i32, %arg1: i32) -> (i32, i32) {
    %mul3A = arith.constant 10 : i32
    %mul3A_0 = arith.muli %arg0, %mul3A : i32
    %add3A = arith.addi %mul3A_0, %arg1 : i32
    %c0_i32 = arith.constant 0 : i32
    %c0_i32_1 = arith.constant 0 : i32
    return %add3A, %c0_i32 : i32, i32
  }
}

module attributes {stable_mosaic.version = 14 : i64} {
  func.func @_tc_head_body(%arg0: i32, %arg1: memref<1000x128xf32, #tpu.memory_space<vmem>>, %arg2: memref<1000x128xf32, #tpu.memory_space<vmem>>, %arg3: memref<256x128xf32, #tpu.memory_space<vmem>>, %arg4: memref<1x128xf32, #tpu.memory_space<vmem>>, %arg5: memref<256x1xf32, #tpu.memory_space<vmem>>, %arg6: memref<1x1xf32, #tpu.memory_space<vmem>>, %arg7: memref<1000x128xf32, #tpu.memory_space<vmem>>, %arg8: memref<1000x1xf32, #tpu.memory_space<vmem>>) attributes {dimension_semantics = [#tpu.dimension_semantics<arbitrary>], iteration_bounds = array<i64: 10>, scalar_prefetch = 0 : i64, scratch_operands = 0 : i64, tpu.core_type = #tpu.core_type<tc>, window_params = [{transform_indices = @transform_0, window_bounds = array<i64: 1000, 128>}, {transform_indices = @transform_1, window_bounds = array<i64: 1000, 128>}, {pipeline_mode = #tpu.pipeline_mode<synchronous>, transform_indices = @transform_2, window_bounds = array<i64: 256, 128>}, {pipeline_mode = #tpu.pipeline_mode<synchronous>, transform_indices = @transform_3, window_bounds = array<i64: 1, 128>}, {pipeline_mode = #tpu.pipeline_mode<synchronous>, transform_indices = @transform_4, window_bounds = array<i64: 256, 1>}, {pipeline_mode = #tpu.pipeline_mode<synchronous>, transform_indices = @transform_5, window_bounds = array<i64: 1, 1>}, {transform_indices = @transform_6, window_bounds = array<i64: 1000, 128>}, {transform_indices = @transform_7, window_bounds = array<i64: 1000, 1>}]} {
    %get3A = arith.constant 0 : index
    %get3A_0 = arith.constant 0 : index
    %get3A_1 = vector.load %arg1[%get3A, %get3A_0] : memref<1000x128xf32, #tpu.memory_space<vmem>>, vector<1000x128xf32>
    %get3A_2 = arith.constant 0 : index
    %get3A_3 = arith.constant 0 : index
    %get3A_4 = vector.load %arg2[%get3A_2, %get3A_3] : memref<1000x128xf32, #tpu.memory_space<vmem>>, vector<1000x128xf32>
    %concatenate3A = tpu.concatenate %get3A_1, %get3A_4 in 1 : vector<1000x128xf32>, vector<1000x128xf32> -> vector<1000x256xf32>
    %get3A_5 = arith.constant 0 : index
    %get3A_6 = arith.constant 0 : index
    %get3A_7 = vector.load %arg3[%get3A_5, %get3A_6] : memref<256x128xf32, #tpu.memory_space<vmem>>, vector<256x128xf32>
    %dot_general3A = arith.constant dense<0.000000e+00> : vector<1000x128xf32>
    %dot_general3A_8 = tpu.matmul %concatenate3A, %get3A_7, %dot_general3A {dimension_numbers = #tpu.dot_dimension_numbers<[1], [0], [0], [1], [0, 0, 1, 1], [], []>, transpose_lhs_hint = false} : vector<1000x256xf32>, vector<256x128xf32>, vector<1000x128xf32> -> vector<1000x128xf32>
    %get3A_9 = arith.constant 0 : index
    %get3A_10 = arith.constant 0 : index
    %get3A_11 = vector.load %arg4[%get3A_9, %get3A_10] : memref<1x128xf32, #tpu.memory_space<vmem>>, vector<1x128xf32>
    %add3A = vector.broadcast %get3A_11 : vector<1x128xf32> to vector<1000x128xf32>
    %add3A_12 = arith.addf %dot_general3A_8, %add3A : vector<1000x128xf32>
    %swap3A = arith.constant 0 : index
    %swap3A_13 = arith.constant 0 : index
    %swap3A_14 = vector.load %arg7[%swap3A, %swap3A_13] : memref<1000x128xf32, #tpu.memory_space<vmem>>, vector<1000x128xf32>
    tpu.vector_store %arg7[%swap3A, %swap3A_13], %add3A_12 {strides = array<i32>} : memref<1000x128xf32, #tpu.memory_space<vmem>>, vector<1000x128xf32>,
    %get3A_15 = arith.constant 0 : index
    %get3A_16 = arith.constant 0 : index
    %get3A_17 = vector.load %arg5[%get3A_15, %get3A_16] : memref<256x1xf32, #tpu.memory_space<vmem>>, vector<256x1xf32>
    %dot_general3A_18 = arith.constant dense<0.000000e+00> : vector<1000x1xf32>
    %dot_general3A_19 = tpu.matmul %concatenate3A, %get3A_17, %dot_general3A_18 {dimension_numbers = #tpu.dot_dimension_numbers<[1], [0], [0], [1], [0, 0, 1, 1], [], []>, transpose_lhs_hint = false} : vector<1000x256xf32>, vector<256x1xf32>, vector<1000x1xf32> -> vector<1000x1xf32>
    %get3A_20 = arith.constant 0 : index
    %get3A_21 = arith.constant 0 : index
    %get3A_22 = vector.load %arg6[%get3A_20, %get3A_21] : memref<1x1xf32, #tpu.memory_space<vmem>>, vector<1x1xf32>
    %add3A_23 = vector.broadcast %get3A_22 : vector<1x1xf32> to vector<1000x1xf32>
    %add3A_24 = arith.addf %dot_general3A_19, %add3A_23 : vector<1000x1xf32>
    %swap3A_25 = arith.constant 0 : index
    %swap3A_26 = arith.constant 0 : index
    %swap3A_27 = vector.load %arg8[%swap3A_25, %swap3A_26] : memref<1000x1xf32, #tpu.memory_space<vmem>>, vector<1000x1xf32>
    tpu.vector_store %arg8[%swap3A_25, %swap3A_26], %add3A_24 {strides = array<i32>} : memref<1000x1xf32, #tpu.memory_space<vmem>>, vector<1000x1xf32>,
    return
  }
  func.func @transform_0(%arg0: i32) -> (i32, i32) {
    %c0_i32 = arith.constant 0 : i32
    %c0_i32_0 = arith.constant 0 : i32
    return %arg0, %c0_i32 : i32, i32
  }
  func.func @transform_1(%arg0: i32) -> (i32, i32) {
    %add3A = arith.constant 10 : i32
    %add3A_0 = arith.addi %arg0, %add3A : i32
    %c0_i32 = arith.constant 0 : i32
    %c0_i32_1 = arith.constant 0 : i32
    return %add3A_0, %c0_i32 : i32, i32
  }
  func.func @transform_2(%arg0: i32) -> (i32, i32) {
    %c0_i32 = arith.constant 0 : i32
    %c0_i32_0 = arith.constant 0 : i32
    %c0_i32_1 = arith.constant 0 : i32
    return %c0_i32, %c0_i32_0 : i32, i32
  }
  func.func @transform_3(%arg0: i32) -> (i32, i32) {
    %c0_i32 = arith.constant 0 : i32
    %c0_i32_0 = arith.constant 0 : i32
    %c0_i32_1 = arith.constant 0 : i32
    return %c0_i32, %c0_i32_0 : i32, i32
  }
  func.func @transform_4(%arg0: i32) -> (i32, i32) {
    %c0_i32 = arith.constant 0 : i32
    %c0_i32_0 = arith.constant 0 : i32
    %c0_i32_1 = arith.constant 0 : i32
    return %c0_i32, %c0_i32_0 : i32, i32
  }
  func.func @transform_5(%arg0: i32) -> (i32, i32) {
    %c0_i32 = arith.constant 0 : i32
    %c0_i32_0 = arith.constant 0 : i32
    %c0_i32_1 = arith.constant 0 : i32
    return %c0_i32, %c0_i32_0 : i32, i32
  }
  func.func @transform_6(%arg0: i32) -> (i32, i32) {
    %c0_i32 = arith.constant 0 : i32
    %c0_i32_0 = arith.constant 0 : i32
    return %arg0, %c0_i32 : i32, i32
  }
  func.func @transform_7(%arg0: i32) -> (i32, i32) {
    %c0_i32 = arith.constant 0 : i32
    %c0_i32_0 = arith.constant 0 : i32
    return %arg0, %c0_i32 : i32, i32
  }
}

</mosaic_0001>

<sc_bundles>
// kernel: sc_degree.3.cloned.1.call-start
scs
__scs_entry_jumppad:
0x0: {  	(pc) =	sbr.rel $0x88, $3  }
0x1: {  	(tag) =	ssettag $0x0;
	lr =	simm.s32 $0x1  }
0x2: {  	[smem:$0x3F92] =	sst lr;
	_ =	strace $0xD0000000  }
0x3: {  	_ = 	snop  }
0x4: {  	_ = 	snop  }
0x5: {  	_ = 	snop  }
0x6: {  	_ = 	snop  }
0x7: {  	_ = 	snop  }
__scs_overlays_trampoline_lowered:
0x8: {  	[smem:$0x3FA1] =	sst s0  }
0x9: {  	[smem:$0x3FA2] =	sst s1  }
0xa: {  	[smem:$0x3FA3] =	sst s2  }
0xb: {  	[smem:$0x3FA4] =	sst s3  }
0xc: {  	[smem:$0x3FA5] =	sst s4  }
0xd: {  	[smem:$0x3FA6] =	sst s5  }
0xe: {  	[smem:$0x3FA7] =	sst s6  }
0xf: {  	[smem:$0x3FA8] =	sst s7  }
0x10: {  	[smem:$0x3FA9] =	sst s8  }
0x11: {  	[smem:$0x3FAA] =	sst s9;
	s0 =	simm.s32 @!p0 $0x0  }
0x12: {  	s1 =	sld [smem:$0x3F90];
	s0 =	simm.s32 @p0 $0x1  }
0x13: {  	[smem:$0x3FAB] =	sst s0;
	s0 =	simm.s32 @!p1 $0x0  }
0x14: {  	s2 =	sld [smem:$0x3F8F];
	s0 =	simm.s32 @p1 $0x1  }
0x15: {  	[smem:$0x3FAC] =	sst s0;
	s0 =	simm.s32 @!p2 $0x0  }
0x16: {  	s3 =	sld [smem:$0x3FDB];
	s0 =	simm.s32 @p2 $0x1  }
0x17: {  	s4 =	simm.s32 $0x1BF5;
	[smem:$0x3FAE] =	sst s0  }
0x18: {  	s0 =	sld [smem:$0x3F91];
	_ =	swait.ge [sflag:s4], $0x0  }
0x19: {  	s7 =	sld [smem:$0x3F92]  }
0x1a: {  	s8 =	sadd.s32 $0xFFFFE003, lr  }
0x1b: {  	s9 =	sadd.s32 $0xFFFFFEF7, lr;
	s5 =	simm.s32 $0xFFFFFFFF;
	p2 =	slt.u32 s8, $0xFFFFF086  }
0x1c: {  	p1 =	slt.u32 s9, $0xF7A;
	s5 =	simm.s32 @!p2 $0x0  }
0x1d: {  	s5 =	simm.s32 @p1 $0x1;
	p0 =	seq.s32 s7, s2  }
0x1e: {  	s7 =	smul.u32 @!p0 $0xF7A, s2;
	p2 =	seq.s32 @!p0 s5, $0x0  }
0x1f: {  	s9 =	smul.u32 $0xF7A, s1;
	s8 =	simm.s32 @!p0 $0x1BF5;
	p2 =	por !p2, p0  }
0x20: {  	[sflag:s8] =	ssyncset.s32 @!p0 $0xFFFFF086;
	s6 =	sadd.s32 @!p0 s3, s7;
	s7 =	simm.s32 @!p0 $0x108  }
0x21: {  	s3 =	sadd.s32 s3, s9;
	s6 =	sadd.s32 @!p0 $0x88, s6;
	s7 =	simm.s32 @p2 $0x1082  }
0x22: {  	[simem:s7], [sflag:s8] =	dma.local @!p0 [hbm:s6], $0xF7A  }
0x23: {  	s9 =	sor.u32 $0xD0000000, s2;
	s6 =	simm.s32 $0x108;
	_ =	swait.ge @!p0 [sflag:s8], $0x0  }
0x24: {  	s3 =	sadd.s32 $0x88, s3;
	s6 =	simm.s32 @!p1 $0x1082;
	[sflag:s4] =	ssyncset.s32 $0xFFFFF086  }
0x25: {  	[simem:s6], [sflag:s4] =	dma.local [hbm:s3], $0xF7A  }
0x26: {  	[smem:$0x3F92] =	sst s1;
	(tag) =	ssettag s2;
	_ =	strace s9  }
0x27: {  	s1 =	sld [smem:$0x3FA2]  }
0x28: {  	s2 =	sld [smem:$0x3FA3]  }
0x29: {  	s4 =	sld [smem:$0x3FA5]  }
0x2a: {  	p0 =	seq.s32 s5, $0x0;
	s5 =	sld [smem:$0x3FA6]  }
0x2b: {  	s6 =	sld [smem:$0x3FA7]  }
0x2c: {  	s7 =	sld [smem:$0x3FA8]  }
0x2d: {  	s3 =	simm.s32 $0x108;
	s8 =	sld [smem:$0x3FA9]  }
0x2e: {  	s3 =	simm.s32 @!p0 $0x1082;
	s9 =	sld [smem:$0x3FAA]  }
0x2f: {  	lr =	sadd.s32 s0, s3;
	s0 =	sld [smem:$0x3FA1]  }
0x30: {  	s3 =	sld [smem:$0x3FA4]  }
0x31: {  	[smem:$0x3FAD] =	sst s10  }
0x32: {  	s10 =	sld [smem:$0x3FAB];
	_ =	sdelay $0x3  }
0x33: {  	p0 =	seq.s32 s10, $0x1;
	s10 =	sld [smem:$0x3FAD];
	_ =	sdelay $0x3  }
0x34: {  	[smem:$0x3FAD] =	sst s10  }
0x35: {  	s10 =	sld [smem:$0x3FAC];
	_ =	sdelay $0x3  }
0x36: {  	p1 =	seq.s32 s10, $0x1;
	s10 =	sld [smem:$0x3FAD];
	_ =	sdelay $0x3  }
0x37: {  	[smem:$0x3FAD] =	sst s10  }
0x38: {  	s10 =	sld [smem:$0x3FAE]  }
0x39: {  	_ = 	snop;
	(pc) =	sbr.ind lr, $3  }
0x3a: {  	_ = 	snop  }
0x3b: {  	_ = 	snop  }
0x3c: {  	p2 =	seq.s32 s10, $0x1;
	s10 =	sld [smem:$0x3FAD]  }
0x3d: {  	_ =	shalt  }
0x3e: {  	_ =	shalt  }
0x3f: {  	_ =	shalt  }
0x40: {  	_ =	shalt  }
0x41: {  	_ =	shalt  }
0x42: {  	_ =	shalt  }
0x43: {  	_ =	shalt  }
0x44: {  	_ =	shalt  }
0x45: {  	_ =	shalt  }
0x46: {  	_ =	shalt  }
0x47: {  	_ =	shalt  }
0x48: {  	_ =	shalt  }
0x49: {  	_ =	shalt  }
0x4a: {  	_ =	shalt  }
0x4b: {  	_ =	shalt  }
0x4c: {  	_ =	shalt  }
0x4d: {  	_ =	shalt  }
0x4e: {  	_ =	shalt  }
0x4f: {  	_ =	shalt  }
0x50: {  	_ =	shalt  }
0x51: {  	_ =	shalt  }
0x52: {  	_ =	shalt  }
0x53: {  	_ =	shalt  }
0x54: {  	_ =	shalt  }
0x55: {  	_ =	shalt  }
0x56: {  	_ =	shalt  }
0x57: {  	_ =	shalt  }
0x58: {  	_ =	shalt  }
0x59: {  	_ =	shalt  }
0x5a: {  	_ =	shalt  }
0x5b: {  	_ =	shalt  }
0x5c: {  	_ =	shalt  }
0x5d: {  	_ =	shalt  }
0x5e: {  	_ =	shalt  }
0x5f: {  	_ =	shalt  }
0x60: {  	_ =	shalt  }
0x61: {  	_ =	shalt  }
0x62: {  	_ =	shalt  }
0x63: {  	_ =	shalt  }
0x64: {  	_ =	shalt  }
0x65: {  	_ =	shalt  }
0x66: {  	_ =	shalt  }
0x67: {  	_ =	shalt  }
0x68: {  	_ =	shalt  }
0x69: {  	_ =	shalt  }
0x6a: {  	_ =	shalt  }
0x6b: {  	_ =	shalt  }
0x6c: {  	_ =	shalt  }
0x6d: {  	_ =	shalt  }
0x6e: {  	_ =	shalt  }
0x6f: {  	_ =	shalt  }
0x70: {  	_ =	shalt  }
0x71: {  	_ =	shalt  }
0x72: {  	_ =	shalt  }
0x73: {  	_ =	shalt  }
0x74: {  	_ =	shalt  }
0x75: {  	_ =	shalt  }
0x76: {  	_ =	shalt  }
0x77: {  	_ =	shalt  }
0x78: {  	_ =	shalt  }
0x79: {  	_ =	shalt  }
0x7a: {  	_ =	shalt  }
0x7b: {  	_ =	shalt  }
0x7c: {  	_ =	shalt  }
0x7d: {  	_ =	shalt  }
0x7e: {  	_ =	shalt  }
0x7f: {  	_ =	shalt  }
0x80: {  	_ =	shalt  }
0x81: {  	_ =	shalt  }
0x82: {  	_ =	shalt  }
0x83: {  	_ =	shalt  }
0x84: {  	_ =	shalt  }
0x85: {  	_ =	shalt  }
0x86: {  	_ =	shalt  }
0x87: {  	_ =	shalt  }
.Lfunc_end0:
.L_simem_size_0:
called_computation_lowered:
.L_overlay_start_0:
0x88: {  	s2 =	sld [smem:$0x3FD9]  }
0x89: {  	s3 =	sld [smem:$0x3FFE];
	_ =	sdelay $0x1  }
0x8a: {  	s1 =	srdreg.scid  }
0x8b: {  	s0 =	sand.u32 $0x1, s1  }
0x8c: {  	s15 =	sshll.u32 s0, $0xA;
	s2 =	sadd.s32 s3, s2  }
0x8d: {  	s2 =	sadd.s32 s2, s15  }
0x8e: {  	[smem:$0x3FB9] =	sst s2  }
0x8f: {  	_ = 	snop  }
0x90: {  	s2 =	sld [smem:$0x3FD0];
	_ =	sdelay $0x2  }
0x91: {  	s16 =	simm.s32 $0xB;
	s4 =	simm.s32 $0x10  }
0x92: {  	[smem:s4], [sflag:s16] =	dma.local [hbm:s2], $0x1  }
0x93: {  	_ =	swait.eq [sflag:s16], $0x1  }
0x94: {  	[sflag:s16] =	ssyncset.done $0x0  }
0x95: {  	[sflag:s16] =	ssyncadd.s32 $0xFFFFFFFF  }
0x96: {  	s17 =	sld [smem:$0x10];
	(tm) =	ssettm $0x1  }
0x97: {  	s18 =	sld [smem:$0x3FFB];
	_ =	sdelay $0x3  }
0x98: {  	_ =	strace s18  }
0x99: {  	s2 =	sld [smem:$0x3FFC];
	_ =	sdelay $0x3  }
0x9a: {  	_ =	strace s2  }
0x9b: {  	s2 =	sld [smem:$0x3FFD];
	_ =	sdelay $0x3  }
0x9c: {  	_ =	strace s2  }
0x9d: {  	_ =	strace $0x8FFFFFFF  }
0x9e: {  	s19 =	sld [smem:$0x3FDB];
	_ =	sdelay $0x1  }
0x9f: {  	s20 =	simm.s32 $_scs_section_size  }
0xa0: {  	s5 =	simm.s32 $_size__tile_overlayer_lowered;
	s6 =	simm.s32 $_tile_overlayer_lowered  }
0xa1: {  	s7 =	simm.s32 $0x1BFF;
	s21 =	sshll.u32 s6, $0x1;
	s4 =	sadd.s32 s20, s19  }
0xa2: {  	s22 =	simm.s32 $0x0;
	s5 =	sshll.u32 s5, $0x1;
	s6 =	sadd.s32 s21, s4  }
0xa3: {  	[timem:s22], [sflag:s7] =	dma.local [hbm:s6], s5  }
0xa4: {  	_ =	swait.ge [sflag:s7], s5  }
0xa5: {  	s5 =	ssub.s32 $0x0, s5;
	[sflag:s7] =	ssyncset.done $0x0  }
0xa6: {  	[sflag:s7] =	ssyncadd.s32 s5;
	_ =	sdelay $0x1  }
0xa7: {  	s23 =	simm.s32 $0x1B8B  }
0xa8: {  	_ =	swait.ge [sflag:s23], $0x1  }
0xa9: {  	[sflag:s23] =	ssyncset.done $0x0  }
0xaa: {  	[sflag:s23] =	ssyncadd.s32 $0xFFFFFFFF  }
0xab: {  	s5 =	sld [smem:$0x0]  }
0xac: {  	s6 =	sand.u32 $0xFFFFFFFE, s1  }
0xad: {  	p0 =	sne.s32 s1, s6  }
0xae: {  	s6 =	sshll.u32 @p0 s6, $0xE  }
0xaf: {  	s6 =	sadd.s32 @p0 $0x11B8D, s6;
	s7 =	sshll.u32 @p0 s5, $0x11  }
0xb0: {  	s6 =	sor.u32 @p0 s7, s6  }
0xb1: {  	[sflag:s6] =	ssyncadd.remote.s32 @p0 $0x1;
	_ =	sdelay $0x1  }
0xb2: {  	s6 =	simm.s32 @p0 $0x1B8D  }
0xb3: {  	_ =	swait.eq @p0 [sflag:s6], $0x1  }
0xb4: {  	[sflag:s6] =	ssyncadd.s32 @p0 $0xFFFFFFFF  }
0xb5: {  	s7 =	sshll.u32 @!p0 s1, $0xE  }
0xb6: {  	s7 =	sor.u32 @!p0 $0x4000, s7;
	s6 =	simm.s32 @!p0 $0x1B8D  }
0xb7: {  	s5 =	sshll.u32 @!p0 s5, $0x11;
	s7 =	sadd.s32 @!p0 $0x11B8D, s7;
	_ =	swait.eq @!p0 [sflag:s6], $0x1  }
0xb8: {  	s5 =	sor.u32 @!p0 s5, s7;
	[sflag:s6] =	ssyncadd.s32 @!p0 $0xFFFFFFFF  }
0xb9: {  	s25 =	simm.s32 $0x1B8E;
	s24 =	sld [smem:$0x3FFE];
	[sflag:s5] =	ssyncadd.remote.s32 @!p0 $0x1  }
0xba: {  	s26 =	simm.s32 $execute0_lowered;
	[smem:$0x3FD2] =	sst s25  }
0xbb: {  	s6 =	sshll.u32 s26, $0x1;
	_ =	strace $0x80000049;
	[dreg:$0x1] =	wrdreg $0xFFFFFFFF  }
0xbc: {  	s28 =	simm.s32 $_size_execute0_lowered;
	s4 =	sadd.s32 s4, s6;
	[dreg:$0x0] =	wrdreg $0x0  }
0xbd: {  	s6 =	sshll.u32 s28, $0x1;
	[dreg:$0x2] =	wrdreg s4  }
0xbe: {  	[dreg:$0x3] =	wrdreg s6  }
0xbf: {  	[dreg:$0x4] =	wrdreg $0xC0  }
0xc0: {  	_ =	task [dreg:s22], $0x5FFFF  }
0xc1: {  	[dreg:$0x1] =	wrdreg $0xFFFFFFFF  }
0xc2: {  	[dreg:$0x0] =	wrdreg $0x60  }
0xc3: {  	[dreg:$0x2] =	wrdreg s17  }
0xc4: {  	[dreg:$0x3] =	wrdreg s24  }
0xc5: {  	[dreg:$0x4] =	wrdreg $0x0  }
0xc6: {  	[dreg:$0x5] =	wrdreg $0x9  }
0xc7: {  	_ =	task.clear_ibuf [dreg:s22], $0x6FFFF;
	_ =	strace $0x90000049  }
0xc8: {  	s29 =	simm.s32 $0x9;
	_ =	strace $0x8000004B  }
0xc9: {  	_ =	swait.ge [sflag:s29], $0x1  }
0xca: {  	[sflag:s29] =	ssyncadd.s32 $0xFFFFFFFF  }
0xcb: {  	_ =	strace $0x9000004B  }
0xcc: {  	_ =	sfence  }
0xcd: {  	s30 =	sld [smem:$0x0];
	_ =	sdelay $0x2  }
0xce: {  	s31 =	sshll.u32 s1, $0xD;
	s1 =	sshrl.u32 s1, $0x2  }
0xcf: {  	s4 =	sand.u32 $0x4000, s31;
	s1 =	sadd.s32 s1, s30  }
0xd0: {  	s0 =	sor.u32 s4, s0;
	s1 =	sshll.u32 s1, $0x11  }
0xd1: {  	s0 =	sor.u32 s1, s0  }
0xd2: {  	s0 =	sadd.s32 $0x8F2B, s0  }
0xd3: {  	[sflag:s0] =	ssyncadd.remote.s32 $0x1  }
0xd4: {  	_ =	sfence.sel $0xFFFF  }
0xd5: {  	[dreg:$0x0] =	wrdreg $0xFFFFFFFF;
	(pc) =	sbr.abs _section_cstart, $3  }
0xd6: {  	[dreg:$0x1] =	wrdreg $0xFFFFFFFF  }
0xd7: {  	_ =	task.clear_ibuf [dreg:s22], $0x2FFFF;
	_ =	strace $0x9FFFFFFF  }
0xd8: {  	(tm) =	ssettm $0x7FFFFFFF  }
0xd9: {  	_ =	shalt  }
tec
execute0_lowered:
.L_overlay_start_1:
0x0: {  	(tag) =	ssettag $0x1  }
0x1: {  	s9 =	rddreg [dreg:$0x0]  }
0x2: {  	s4 =	rddreg [dreg:$0x1]  }
0x3: {  	s1 =	rddreg [dreg:$0x2];
	s2 =	stileid.u32  }
0x4: {  	s0 =	rddreg [dreg:$0x3];
	s6 =	smul.u32 $0x2700, s2  }
0x5: {  	s5 =	srdreg.scid;
	s3 =	simm.s32 $0x0;
	s7 =	smul.u32 $0x4E000, s2  }
0x6: {  	s14 =	simm.s32 $0x13900;
	s5 =	sand.u32 $0x1, s5;
	s29 =	smul.u32 $0x1388, s2  }
0x7: {  	s15 =	simm.s32 $0x0;
	[smem:$0x7FF] =	sst s3;
	s8 =	smul.u32 $0x27100, s5  }
0x8: {  	s12 =	sadd.s32 $0xA4800, s4;
	p0 =	sne.s32 s2, $0x0;
	s11 =	smul.u32 $0x138800, s5  }
0x9: {  	_ =	strace $0x8000004A;
	s10 =	ssub.s32 $0x2, s5;
	s13 =	smul.u32 $0x13880, s5  }
0xa: {  	s5 =	sadd.s32 $0x138000, s1;
	s26 =	sshrl.u32 s10, $0x1;
	s28 =	sshrl.u32 s7, $0x2  }
0xb: {  	s10 =	ssub.s32 s10, s26;
	s4 =	sadd.s32 s28, s1;
	s11 =	sshrl.u32 s11, $0x3  }
0xc: {  	s6 =	sadd.s32 s6, s8;
	s31 =	sadd.s32 s29, s13;
	s13 =	simm.s32 $0x28  }
0xd: {  	s30 =	sadd.s32 s12, s11;
	s6 =	sadd.s32 s12, s6;
	s11 =	sshrl.u32 s31, $0x3  }
0xe: {  	s8 =	smax.u32 s10, $0x1;
	s10 =	simm.s32 $0x14D00;
	s12 =	simm.s32 $0x13880  }
0xf: {  	v0 =	vimm.f32 $0.0e+00;
	v1 =	vimm.f32 $1.000000000e+00;
	s7 =	sadd.s32 $0x27000, s30;
	s9 =	sadd.s32 s11, s9;
	s11 =	simm.s32 $0x1  }
.LBB2_1:
0x10: {  	s16 =	sand.u32 $0x1E00, s3  }
0x11: {  	s18 =	sand.u32 $0x70, s3;
	s16 =	sshrl.u32 s16, $0x2  }
0x12: {  	s17 =	simm.s32 $0x40;
	s19 =	sor.u32 s18, s16;
	s18 =	simm.s32 $0x0  }
.LBB2_2:
0x13: {  	p1 =	sne.s32 s17, $0x1FC0  }
0x14: {  	[tilespmem:s19+$0x14D00] =	vst v0;
	s18 =	sadd.s32 $0x10, s18;
	s16 =	smov.u32 s17;
	s17 =	sadd.s32 $0x40, s17  }
.Ltmp0:
0x15: {  	(pc) =	sbr.rel @p1 .LBB2_2-.Ltmp0, $4  }
0x16: {  	_ = 	snop  }
0x17: {  	s16 =	sand.u32 $0x1E00, s16  }
0x18: {  	s19 =	sand.u32 $0x70, s18;
	s16 =	sshrl.u32 s16, $0x2  }
0x19: {  	s19 =	sor.u32 s19, s16;
	s16 =	simm.s32 $0x0  }
0x1a: {  	s17 =	sand.u32 $0x7E00, s16  }
0x1b: {  	s18 =	sand.u32 $0x70, s16;
	s20 =	sshrl.u32 s17, $0x2  }
0x1c: {  	[tilespmem:s19+$0x14D00] =	vst v0;
	s17 =	simm.s32 $0x40;
	s18 =	sor.u32 s18, s20  }
.LBB2_4:
0x1d: {  	p1 =	sne.s32 s17, $0x4FC0  }
0x1e: {  	[tilespmem:s18+$0x13900] =	vst v1;
	s16 =	sadd.s32 $0x10, s16;
	s18 =	smov.u32 s17;
	s17 =	sadd.s32 $0x40, s17  }
.Ltmp1:
0x1f: {  	(pc) =	sbr.rel @p1 .LBB2_4-.Ltmp1, $4  }
0x20: {  	_ = 	snop  }
0x21: {  	s18 =	sand.u32 $0x7E00, s18  }
0x22: {  	s19 =	sand.u32 $0x70, s16;
	s18 =	sshrl.u32 s18, $0x2  }
0x23: {  	s18 =	sor.u32 s19, s18  }
0x24: {  	[tilespmem:s18+$0x13900] =	vst v1;
	s16 =	sadd.s32 $0x0, s4  }
0x25: {  	[spmem:s16] =	stream.linear.scatter [tilespmem:s10], [sflag:$0x1], $0x800, $0x38;
	[tilespmem:$0x15500] =	vst v63  }
0x26: {  	s16 =	simm.s32 $0x2000;
	_ =	swait.ge [sflag:s11], $0x800  }
.LBB2_6:
0x27: {  	s17 =	sshra.s32 s16, $0x2;
	[sflag:s11] =	ssyncset.done $0x0;
	p1 =	sne.s32 s16, $0x4C000  }
.Ltmp2:
0x28: {  	s17 =	sadd.s32 s17, s4;
	[sflag:s11] =	ssyncadd.s32 $0xFFFFF800;
	(pc) =	sbr.rel @p1 .LBB2_6-.Ltmp2, $3  }
0x29: {  	[spmem:s17] =	stream.linear.scatter [tilespmem:s10], [sflag:$0x1], $0x800, $0x38;
	[tilespmem:$0x15500] =	vst v63  }
0x2a: {  	s16 =	sadd.s32 $0x2000, s16;
	_ =	sdelay $0x1  }
0x2b: {  	_ =	swait.ge [sflag:s11], $0x800  }
0x2c: {  	[sflag:s11] =	ssyncset.done $0x0  }
0x2d: {  	s16 =	simm.s32 @!p0 $0x14D00;
	[sflag:s11] =	ssyncadd.s32 $0xFFFFF800  }
0x2e: {  	[spmem:s5] =	stream.linear.scatter @!p0 [tilespmem:s16], [sflag:$0x1], $0x800, $0x38;
	[tilespmem:$0x15500] =	vst v63  }
0x2f: {  	s16 =	simm.s32 @!p0 $0x1  }
0x30: {  	_ =	swait.ge @!p0 [sflag:s16], $0x800  }
0x31: {  	[sflag:s16] =	ssyncset.done @!p0 $0x0  }
0x32: {  	[sflag:s16] =	ssyncadd.s32 @!p0 $0xFFFFF800  }
0x33: {  	s31 =	sadd.s32 $0x0, s9;
	[bflag:$0x0] =	sbarrier.arrive $0xFFFF  }
0x34: {  	[tilespmem:s12], [sflag:$0x1] =	stream.linear.gather [hbm4b:s31+s3], $0x28, $0x38;
	[tilespmem:$0x15500] =	vst v63  }
0x35: {  	_ =	swait.ge [sflag:s11], $0x28  }
0x36: {  	[sflag:s11] =	ssyncset.done $0x0  }
0x37: {  	[sflag:s11] =	ssyncadd.s32 $0xFFFFFFD8  }
0x38: {  	[spmem:s1] =	stream.indirect.scatter.add.f32 [tilespmem:s14], [sflag:$0x1], $0x80, s12, s13, $0xb8;
	[tilespmem:$0x15500] =	vst v63  }
0x39: {  	_ =	swait.ge [sflag:s11], $0x1400  }
0x3a: {  	s17 =	simm.s32 $0xA;
	s16 =	simm.s32 $0x5;
	[sflag:s11] =	ssyncset.done $0x0  }
.LBB2_8:
0x3b: {  	s18 =	sadd.s32 s16, s9  }
0x3c: {  	[sflag:s11] =	ssyncadd.s32 $0xFFFFEC00;
	s16 =	smov.u32 s17;
	s19 =	sadd.s32 $0x5, s17  }
0x3d: {  	[tilespmem:s12], [sflag:$0x1] =	stream.linear.gather [hbm4b:s18+s3], $0x28, $0x38;
	[tilespmem:$0x15500] =	vst v63  }
0x3e: {  	p1 =	sne.s32 s17, $0x26C;
	_ =	swait.ge [sflag:s11], $0x28  }
.Ltmp3:
0x3f: {  	[sflag:s11] =	ssyncset.done $0x0;
	(pc) =	sbr.rel @p1 .LBB2_8-.Ltmp3, $4  }
0x40: {  	[sflag:s11] =	ssyncadd.s32 $0xFFFFFFD8  }
0x41: {  	[spmem:s1] =	stream.indirect.scatter.add.f32 [tilespmem:s14], [sflag:$0x1], $0x80, s12, s13, $0xb8;
	[tilespmem:$0x15500] =	vst v63  }
0x42: {  	_ =	swait.ge [sflag:s11], $0x1400  }
0x43: {  	s17 =	smov.u32 s19;
	[sflag:s11] =	ssyncset.done $0x0  }
0x44: {  	s16 =	sadd.s32 s16, s9;
	[sflag:s11] =	ssyncadd.s32 $0xFFFFEC00  }
0x45: {  	[tilespmem:s12], [sflag:$0x1] =	stream.linear.gather [hbm4b:s16+s3], $0x28, $0x38;
	[tilespmem:$0x15500] =	vst v63  }
0x46: {  	_ =	swait.ge [sflag:s11], $0x28  }
0x47: {  	[sflag:s11] =	ssyncset.done $0x0  }
0x48: {  	[sflag:s11] =	ssyncadd.s32 $0xFFFFFFD8  }
0x49: {  	[spmem:s1] =	stream.indirect.scatter.add.f32 [tilespmem:s14], [sflag:$0x1], $0x80, s12, s13, $0xb8;
	[tilespmem:$0x15500] =	vst v63  }
0x4a: {  	_ =	swait.ge [sflag:s11], $0x1400  }
0x4b: {  	[sflag:s11] =	ssyncset.done $0x0  }
0x4c: {  	s31 =	sshll.u32 s2, $0x6;
	[sflag:s11] =	ssyncadd.s32 $0xFFFFEC00  }
0x4d: {  	s17 =	sshrl.u32 s4, $0x3;
	s16 =	sor.u32 $0x1C01, s31;
	[bflag:$0x0] =	sbarrier.arrive $0xFFFF  }
0x4e: {  	[hbm:s6], [sflag:s16] =	dma.local [spmem:s17], $0x2700  }
0x4f: {  	_ =	swait.ge [sflag:s11], $0x2700  }
0x50: {  	s15 =	sadd.s32 $0x1, s15;
	[sflag:s11] =	ssyncset.done $0x0  }
0x51: {  	p1 =	sne.s32 s15, s8;
	s17 =	sshrl.u32 @!p0 s5, $0x3;
	[sflag:s11] =	ssyncadd.s32 $0xFFFFD900  }
0x52: {  	[hbm:s7], [sflag:s16] =	dma.local @!p0 [spmem:s17], $0x100  }
.Ltmp4:
0x53: {  	_ = 	snop;
	(pc) =	sbr.rel @p1 .LBB2_1-.Ltmp4, $4  }
0x54: {  	s16 =	simm.s32 @!p0 $0x1  }
0x55: {  	_ =	swait.ge @!p0 [sflag:s16], $0x100  }
0x56: {  	[sflag:s16] =	ssyncset.done @!p0 $0x0  }
0x57: {  	[sflag:s16] =	ssyncadd.s32 @!p0 $0xFFFFFF00  }
0x58: {  	_ =	sfence.sel $0x180000  }
0x59: {  	[bflag:$0x0] =	sbarrier.arrive $0xFFFF  }
0x5a: {  	_ =	strace $0x9000004A  }
0x5b: {  	s0 =	sadd.s32 @!p0 $0x100000, s0;
	[bflag:$0x2] =	sbarrier.arrive $0xFFFF  }
0x5c: {  	[sflag:s0] =	ssyncadd.tile.s32 @!p0 $0x1;
	_ =	shalt  }
.Lfunc_end2:
_tile_overlayer_lowered:
.L_overlay_start_2:
0x5d: {  	(tag) =	ssettag $0x2  }
0x5e: {  	s0 =	rddreg [dreg:$0x0];
	s2 =	stileid.u32  }
0x5f: {  	s1 =	rddreg [dreg:$0x1];
	p0 =	sne.s32 s2, $0x0  }
0x60: {  	s3 =	rddreg [dreg:$0x2];
	[bflag:$0x3] =	sbarrier.arrive $0xFFFF;
	s2 =	simm.s32 @!p0 $0x1C01  }
0x61: {  	[timem:s3], [sflag:s2] =	dma.local @!p0 [hbm:s0], s1  }
0x62: {  	s0 =	simm.s32 @!p0 $0x1  }
0x63: {  	_ =	swait.ge @!p0 [sflag:s0], s1  }
0x64: {  	s1 =	ssub.s32 @!p0 $0x0, s1;
	[sflag:s0] =	ssyncset.done @!p0 $0x0  }
0x65: {  	[sflag:s0] =	ssyncadd.s32 @!p0 s1  }
0x66: {  	[bflag:$0x3] =	sbarrier.arrive $0xFFFF  }
0x67: {  	_ =	shalt  }

// kernel: sc_segment_sum.11.cloned.1.call-start
scs
__scs_entry_jumppad:
0x0: {  	(pc) =	sbr.rel $0x88, $3  }
0x1: {  	(tag) =	ssettag $0x0;
	lr =	simm.s32 $0x1  }
0x2: {  	[smem:$0x3F92] =	sst lr;
	_ =	strace $0xD0000000  }
0x3: {  	_ = 	snop  }
0x4: {  	_ = 	snop  }
0x5: {  	_ = 	snop  }
0x6: {  	_ = 	snop  }
0x7: {  	_ = 	snop  }
__scs_overlays_trampoline_lowered:
0x8: {  	[smem:$0x3FA1] =	sst s0  }
0x9: {  	[smem:$0x3FA2] =	sst s1  }
0xa: {  	[smem:$0x3FA3] =	sst s2  }
0xb: {  	[smem:$0x3FA4] =	sst s3  }
0xc: {  	[smem:$0x3FA5] =	sst s4  }
0xd: {  	[smem:$0x3FA6] =	sst s5  }
0xe: {  	[smem:$0x3FA7] =	sst s6  }
0xf: {  	[smem:$0x3FA8] =	sst s7  }
0x10: {  	[smem:$0x3FA9] =	sst s8  }
0x11: {  	[smem:$0x3FAA] =	sst s9;
	s0 =	simm.s32 @!p0 $0x0  }
0x12: {  	s1 =	sld [smem:$0x3F90];
	s0 =	simm.s32 @p0 $0x1  }
0x13: {  	[smem:$0x3FAB] =	sst s0;
	s0 =	simm.s32 @!p1 $0x0  }
0x14: {  	s2 =	sld [smem:$0x3F8F];
	s0 =	simm.s32 @p1 $0x1  }
0x15: {  	[smem:$0x3FAC] =	sst s0;
	s0 =	simm.s32 @!p2 $0x0  }
0x16: {  	s3 =	sld [smem:$0x3FDB];
	s0 =	simm.s32 @p2 $0x1  }
0x17: {  	s4 =	simm.s32 $0x1BF5;
	[smem:$0x3FAE] =	sst s0  }
0x18: {  	s0 =	sld [smem:$0x3F91];
	_ =	swait.ge [sflag:s4], $0x0  }
0x19: {  	s7 =	sld [smem:$0x3F92]  }
0x1a: {  	s8 =	sadd.s32 $0xFFFFE003, lr  }
0x1b: {  	s9 =	sadd.s32 $0xFFFFFEF7, lr;
	s5 =	simm.s32 $0xFFFFFFFF;
	p2 =	slt.u32 s8, $0xFFFFF086  }
0x1c: {  	p1 =	slt.u32 s9, $0xF7A;
	s5 =	simm.s32 @!p2 $0x0  }
0x1d: {  	s5 =	simm.s32 @p1 $0x1;
	p0 =	seq.s32 s7, s2  }
0x1e: {  	s7 =	smul.u32 @!p0 $0xF7A, s2;
	p2 =	seq.s32 @!p0 s5, $0x0  }
0x1f: {  	s9 =	smul.u32 $0xF7A, s1;
	s8 =	simm.s32 @!p0 $0x1BF5;
	p2 =	por !p2, p0  }
0x20: {  	[sflag:s8] =	ssyncset.s32 @!p0 $0xFFFFF086;
	s6 =	sadd.s32 @!p0 s3, s7;
	s7 =	simm.s32 @!p0 $0x108  }
0x21: {  	s3 =	sadd.s32 s3, s9;
	s6 =	sadd.s32 @!p0 $0x88, s6;
	s7 =	simm.s32 @p2 $0x1082  }
0x22: {  	[simem:s7], [sflag:s8] =	dma.local @!p0 [hbm:s6], $0xF7A  }
0x23: {  	s9 =	sor.u32 $0xD0000000, s2;
	s6 =	simm.s32 $0x108;
	_ =	swait.ge @!p0 [sflag:s8], $0x0  }
0x24: {  	s3 =	sadd.s32 $0x88, s3;
	s6 =	simm.s32 @!p1 $0x1082;
	[sflag:s4] =	ssyncset.s32 $0xFFFFF086  }
0x25: {  	[simem:s6], [sflag:s4] =	dma.local [hbm:s3], $0xF7A  }
0x26: {  	[smem:$0x3F92] =	sst s1;
	(tag) =	ssettag s2;
	_ =	strace s9  }
0x27: {  	s1 =	sld [smem:$0x3FA2]  }
0x28: {  	s2 =	sld [smem:$0x3FA3]  }
0x29: {  	s4 =	sld [smem:$0x3FA5]  }
0x2a: {  	p0 =	seq.s32 s5, $0x0;
	s5 =	sld [smem:$0x3FA6]  }
0x2b: {  	s6 =	sld [smem:$0x3FA7]  }
0x2c: {  	s7 =	sld [smem:$0x3FA8]  }
0x2d: {  	s3 =	simm.s32 $0x108;
	s8 =	sld [smem:$0x3FA9]  }
0x2e: {  	s3 =	simm.s32 @!p0 $0x1082;
	s9 =	sld [smem:$0x3FAA]  }
0x2f: {  	lr =	sadd.s32 s0, s3;
	s0 =	sld [smem:$0x3FA1]  }
0x30: {  	s3 =	sld [smem:$0x3FA4]  }
0x31: {  	[smem:$0x3FAD] =	sst s10  }
0x32: {  	s10 =	sld [smem:$0x3FAB];
	_ =	sdelay $0x3  }
0x33: {  	p0 =	seq.s32 s10, $0x1;
	s10 =	sld [smem:$0x3FAD];
	_ =	sdelay $0x3  }
0x34: {  	[smem:$0x3FAD] =	sst s10  }
0x35: {  	s10 =	sld [smem:$0x3FAC];
	_ =	sdelay $0x3  }
0x36: {  	p1 =	seq.s32 s10, $0x1;
	s10 =	sld [smem:$0x3FAD];
	_ =	sdelay $0x3  }
0x37: {  	[smem:$0x3FAD] =	sst s10  }
0x38: {  	s10 =	sld [smem:$0x3FAE]  }
0x39: {  	_ = 	snop;
	(pc) =	sbr.ind lr, $3  }
0x3a: {  	_ = 	snop  }
0x3b: {  	_ = 	snop  }
0x3c: {  	p2 =	seq.s32 s10, $0x1;
	s10 =	sld [smem:$0x3FAD]  }
0x3d: {  	_ =	shalt  }
0x3e: {  	_ =	shalt  }
0x3f: {  	_ =	shalt  }
0x40: {  	_ =	shalt  }
0x41: {  	_ =	shalt  }
0x42: {  	_ =	shalt  }
0x43: {  	_ =	shalt  }
0x44: {  	_ =	shalt  }
0x45: {  	_ =	shalt  }
0x46: {  	_ =	shalt  }
0x47: {  	_ =	shalt  }
0x48: {  	_ =	shalt  }
0x49: {  	_ =	shalt  }
0x4a: {  	_ =	shalt  }
0x4b: {  	_ =	shalt  }
0x4c: {  	_ =	shalt  }
0x4d: {  	_ =	shalt  }
0x4e: {  	_ =	shalt  }
0x4f: {  	_ =	shalt  }
0x50: {  	_ =	shalt  }
0x51: {  	_ =	shalt  }
0x52: {  	_ =	shalt  }
0x53: {  	_ =	shalt  }
0x54: {  	_ =	shalt  }
0x55: {  	_ =	shalt  }
0x56: {  	_ =	shalt  }
0x57: {  	_ =	shalt  }
0x58: {  	_ =	shalt  }
0x59: {  	_ =	shalt  }
0x5a: {  	_ =	shalt  }
0x5b: {  	_ =	shalt  }
0x5c: {  	_ =	shalt  }
0x5d: {  	_ =	shalt  }
0x5e: {  	_ =	shalt  }
0x5f: {  	_ =	shalt  }
0x60: {  	_ =	shalt  }
0x61: {  	_ =	shalt  }
0x62: {  	_ =	shalt  }
0x63: {  	_ =	shalt  }
0x64: {  	_ =	shalt  }
0x65: {  	_ =	shalt  }
0x66: {  	_ =	shalt  }
0x67: {  	_ =	shalt  }
0x68: {  	_ =	shalt  }
0x69: {  	_ =	shalt  }
0x6a: {  	_ =	shalt  }
0x6b: {  	_ =	shalt  }
0x6c: {  	_ =	shalt  }
0x6d: {  	_ =	shalt  }
0x6e: {  	_ =	shalt  }
0x6f: {  	_ =	shalt  }
0x70: {  	_ =	shalt  }
0x71: {  	_ =	shalt  }
0x72: {  	_ =	shalt  }
0x73: {  	_ =	shalt  }
0x74: {  	_ =	shalt  }
0x75: {  	_ =	shalt  }
0x76: {  	_ =	shalt  }
0x77: {  	_ =	shalt  }
0x78: {  	_ =	shalt  }
0x79: {  	_ =	shalt  }
0x7a: {  	_ =	shalt  }
0x7b: {  	_ =	shalt  }
0x7c: {  	_ =	shalt  }
0x7d: {  	_ =	shalt  }
0x7e: {  	_ =	shalt  }
0x7f: {  	_ =	shalt  }
0x80: {  	_ =	shalt  }
0x81: {  	_ =	shalt  }
0x82: {  	_ =	shalt  }
0x83: {  	_ =	shalt  }
0x84: {  	_ =	shalt  }
0x85: {  	_ =	shalt  }
0x86: {  	_ =	shalt  }
0x87: {  	_ =	shalt  }
.Lfunc_end0:
.L_simem_size_0:
called_computation.3_lowered:
.L_overlay_start_0:
0x88: {  	s2 =	sld [smem:$0x3FD9]  }
0x89: {  	s3 =	sld [smem:$0x3FFE];
	_ =	sdelay $0x1  }
0x8a: {  	s1 =	srdreg.scid  }
0x8b: {  	s0 =	sand.u32 $0x1, s1  }
0x8c: {  	s14 =	sshll.u32 s0, $0xA;
	s2 =	sadd.s32 s3, s2  }
0x8d: {  	s2 =	sadd.s32 s2, s14  }
0x8e: {  	[smem:$0x3FB9] =	sst s2  }
0x8f: {  	_ = 	snop  }
0x90: {  	s2 =	sld [smem:$0x3FD0];
	_ =	sdelay $0x2  }
0x91: {  	s15 =	simm.s32 $0xB;
	s4 =	simm.s32 $0x10  }
0x92: {  	[smem:s4], [sflag:s15] =	dma.local [hbm:s2], $0x1  }
0x93: {  	_ =	swait.eq [sflag:s15], $0x1  }
0x94: {  	[sflag:s15] =	ssyncset.done $0x0  }
0x95: {  	[sflag:s15] =	ssyncadd.s32 $0xFFFFFFFF  }
0x96: {  	s16 =	sld [smem:$0x10];
	(tm) =	ssettm $0x1  }
0x97: {  	s17 =	sld [smem:$0x3FFB];
	_ =	sdelay $0x3  }
0x98: {  	_ =	strace s17  }
0x99: {  	s3 =	sld [smem:$0x3FFC];
	_ =	sdelay $0x3  }
0x9a: {  	_ =	strace s3  }
0x9b: {  	s3 =	sld [smem:$0x3FFD];
	_ =	sdelay $0x3  }
0x9c: {  	_ =	strace s3  }
0x9d: {  	_ =	strace $0x8FFFFFFF  }
0x9e: {  	s18 =	sld [smem:$0x3FDB];
	_ =	sdelay $0x1  }
0x9f: {  	s19 =	simm.s32 $_scs_section_size  }
0xa0: {  	s5 =	simm.s32 $_size__tile_overlayer_lowered;
	s6 =	simm.s32 $_tile_overlayer_lowered  }
0xa1: {  	s22 =	simm.s32 $0x1BFF;
	s21 =	sshll.u32 s6, $0x1;
	s3 =	sadd.s32 s19, s18  }
0xa2: {  	s7 =	simm.s32 $0x0;
	s20 =	sshll.u32 s5, $0x1;
	s5 =	sadd.s32 s21, s3  }
0xa3: {  	[timem:s7], [sflag:s22] =	dma.local [hbm:s5], s20  }
0xa4: {  	_ =	swait.ge [sflag:s22], s20  }
0xa5: {  	s4 =	ssub.s32 $0x0, s20;
	[sflag:s22] =	ssyncset.done $0x0  }
0xa6: {  	[sflag:s22] =	ssyncadd.s32 s4;
	_ =	sdelay $0x1  }
0xa7: {  	s23 =	simm.s32 $0x1B8B  }
0xa8: {  	_ =	swait.ge [sflag:s23], $0x1  }
0xa9: {  	[sflag:s23] =	ssyncset.done $0x0  }
0xaa: {  	s25 =	simm.s32 $0x1B8E;
	s24 =	sld [smem:$0x3FFE];
	[sflag:s23] =	ssyncadd.s32 $0xFFFFFFFF  }
0xab: {  	s26 =	simm.s32 $execute0_lowered;
	[smem:$0x3FD2] =	sst s25  }
0xac: {  	s5 =	sshll.u32 s26, $0x1;
	_ =	strace $0x8000004F;
	[dreg:$0x1] =	wrdreg $0xFFFFFFFF  }
0xad: {  	s28 =	simm.s32 $_size_execute0_lowered;
	s3 =	sadd.s32 s3, s5;
	[dreg:$0x0] =	wrdreg $0x0  }
0xae: {  	s5 =	sshll.u32 s28, $0x1;
	[dreg:$0x2] =	wrdreg s3  }
0xaf: {  	[dreg:$0x3] =	wrdreg s5  }
0xb0: {  	[dreg:$0x4] =	wrdreg $0xC0  }
0xb1: {  	_ =	task [dreg:s7], $0x5FFFF  }
0xb2: {  	[dreg:$0x1] =	wrdreg $0xFFFFFFFF  }
0xb3: {  	[dreg:$0x0] =	wrdreg $0x60  }
0xb4: {  	[dreg:$0x2] =	wrdreg s24  }
0xb5: {  	[dreg:$0x3] =	wrdreg s16  }
0xb6: {  	[dreg:$0x4] =	wrdreg $0x0  }
0xb7: {  	[dreg:$0x5] =	wrdreg $0x9  }
0xb8: {  	_ =	task.clear_ibuf [dreg:s7], $0x6FFFF;
	_ =	strace $0x9000004F  }
0xb9: {  	s29 =	simm.s32 $0x9;
	_ =	strace $0x80000051  }
0xba: {  	_ =	swait.ge [sflag:s29], $0x1  }
0xbb: {  	[sflag:s29] =	ssyncadd.s32 $0xFFFFFFFF  }
0xbc: {  	_ =	strace $0x90000051  }
0xbd: {  	_ =	sfence  }
0xbe: {  	s30 =	sld [smem:$0x0];
	_ =	sdelay $0x2  }
0xbf: {  	s31 =	sshll.u32 s1, $0xD;
	s1 =	sshrl.u32 s1, $0x2  }
0xc0: {  	s3 =	sand.u32 $0x4000, s31;
	s1 =	sadd.s32 s1, s30  }
0xc1: {  	s0 =	sor.u32 s3, s0;
	s1 =	sshll.u32 s1, $0x11  }
0xc2: {  	s0 =	sor.u32 s1, s0  }
0xc3: {  	s0 =	sadd.s32 $0x8F2B, s0  }
0xc4: {  	[sflag:s0] =	ssyncadd.remote.s32 $0x1  }
0xc5: {  	_ =	sfence.sel $0xFFFF  }
0xc6: {  	[dreg:$0x0] =	wrdreg $0xFFFFFFFF;
	(pc) =	sbr.abs _section_cstart, $3  }
0xc7: {  	[dreg:$0x1] =	wrdreg $0xFFFFFFFF  }
0xc8: {  	_ =	task.clear_ibuf [dreg:s7], $0x2FFFF;
	_ =	strace $0x9FFFFFFF  }
0xc9: {  	(tm) =	ssettm $0x7FFFFFFF  }
tec
execute0_lowered:
.L_overlay_start_1:
0x0: {  	(tag) =	ssettag $0x1  }
0x1: {  	s5 =	rddreg [dreg:$0x0]  }
0x2: {  	s10 =	rddreg [dreg:$0x1]  }
0x3: {  	s1 =	rddreg [dreg:$0x2]  }
0x4: {  	s2 =	stileid.u32;
	s0 =	rddreg [dreg:$0x3];
	s3 =	simm.s32 $0x0  }
0x5: {  	s4 =	srdreg.scid;
	s15 =	simm.s32 $0x13900;
	s16 =	simm.s32 $0x50  }
0x6: {  	s18 =	simm.s32 $0x1;
	s19 =	simm.s32 $0x0;
	s11 =	smul.u32 $0x4E2, s2  }
0x7: {  	s6 =	smul.u32 $0x270, s2;
	[smem:$0x7FF] =	sst s3;
	s7 =	sand.u32 $0x1, s4  }
0x8: {  	s8 =	smul.u32 $0x4E000, s2;
	s4 =	sadd.s32 $0x8400, s5;
	s14 =	sadd.s32 $0x56600, s5  }
0x9: {  	p0 =	sne.s32 s2, $0x0;
	s9 =	ssub.s32 $0x2, s7;
	s17 =	smul.u32 $0x2710, s7  }
0xa: {  	_ =	strace $0x80000050;
	s7 =	smul.u32 $0x138800, s7;
	s12 =	sshrl.u32 s9, $0x1  }
0xb: {  	s13 =	sadd.s32 s11, s5;
	s29 =	sshrl.u32 s8, $0x2;
	s10 =	sadd.s32 s11, s10  }
0xc: {  	s9 =	ssub.s32 s9, s12;
	s6 =	sadd.s32 s6, s17;
	s7 =	sshrl.u32 s7, $0x3  }
0xd: {  	s5 =	sadd.s32 s29, s1;
	s11 =	sadd.s32 $0x3400, s13;
	s12 =	simm.s32 $0x16180  }
0xe: {  	s13 =	simm.s32 $0x2;
	v0 =	vmov s17;
	s17 =	simm.s32 $0x13980;
	s30 =	sshll.u32 s6, $0x4  }
0xf: {  	s31 =	sadd.s32 s14, s7;
	s6 =	sadd.s32 $0x138000, s1;
	s9 =	smax.u32 s9, $0x1  }
0x10: {  	v1 =	vimm.f32 $0.0e+00;
	s7 =	sadd.s32 s14, s30;
	s8 =	sadd.s32 $0x27000, s31;
	s14 =	simm.s32 $0x13880  }
.LBB2_1:
0x11: {  	s20 =	simm.s32 $0x0;
	s21 =	simm.s32 $0x0  }
.LBB2_2:
0x12: {  	p1 =	sne.s32 s21, $0x1FC0  }
.Ltmp0:
0x13: {  	_ = 	snop;
	(pc) =	sbr.rel @p1 .LBB2_2-.Ltmp0, $4  }
0x14: {  	s22 =	sand.u32 $0x1E00, s21  }
0x15: {  	s23 =	sand.u32 $0x70, s20;
	s22 =	sshrl.u32 s22, $0x2  }
0x16: {  	s22 =	sor.u32 s23, s22  }
0x17: {  	s20 =	sadd.s32 $0x10, s20;
	s21 =	sadd.s32 $0x40, s21;
	[tilespmem:s22+$0x16180] =	vst v1  }
0x18: {  	s20 =	sadd.s32 $0x0, s5  }
0x19: {  	[spmem:s20] =	stream.linear.scatter [tilespmem:s12], [sflag:$0x2], $0x800, $0x38;
	[tilespmem:$0x16980] =	vst v63  }
0x1a: {  	s20 =	simm.s32 $0x2000;
	_ =	swait.ge [sflag:s13], $0x800  }
.LBB2_4:
0x1b: {  	s21 =	sshra.s32 s20, $0x2;
	[sflag:s13] =	ssyncset.done $0x0;
	p1 =	sne.s32 s20, $0x4C000  }
.Ltmp1:
0x1c: {  	s21 =	sadd.s32 s21, s5;
	[sflag:s13] =	ssyncadd.s32 $0xFFFFF800;
	(pc) =	sbr.rel @p1 .LBB2_4-.Ltmp1, $3  }
0x1d: {  	[spmem:s21] =	stream.linear.scatter [tilespmem:s12], [sflag:$0x2], $0x800, $0x38;
	[tilespmem:$0x16980] =	vst v63  }
0x1e: {  	s20 =	sadd.s32 $0x2000, s20;
	_ =	sdelay $0x1  }
0x1f: {  	_ =	swait.ge [sflag:s13], $0x800  }
0x20: {  	[sflag:s13] =	ssyncset.done $0x0  }
0x21: {  	s20 =	simm.s32 @!p0 $0x16180;
	[sflag:s13] =	ssyncadd.s32 $0xFFFFF800  }
0x22: {  	[spmem:s6] =	stream.linear.scatter @!p0 [tilespmem:s20], [sflag:$0x2], $0x800, $0x38;
	[tilespmem:$0x16980] =	vst v63  }
0x23: {  	s20 =	simm.s32 @!p0 $0x2  }
0x24: {  	_ =	swait.ge @!p0 [sflag:s20], $0x800  }
0x25: {  	[sflag:s20] =	ssyncset.done @!p0 $0x0  }
0x26: {  	[sflag:s20] =	ssyncadd.s32 @!p0 $0xFFFFF800  }
0x27: {  	s30 =	sadd.s32 $0x0, s11;
	[bflag:$0x0] =	sbarrier.arrive $0xFFFF  }
0x28: {  	[tilespmem:s14], [sflag:$0x2] =	stream.linear.gather [hbm4b:s30+s3], $0x50, $0x38;
	[tilespmem:$0x16980] =	vst v63  }
0x29: {  	_ =	swait.ge [sflag:s13], $0x50  }
0x2a: {  	[sflag:s13] =	ssyncset.done $0x0  }
0x2b: {  	s31 =	sadd.s32 $0x0, s10;
	[sflag:s13] =	ssyncadd.s32 $0xFFFFFFB0  }
0x2c: {  	[tilespmem:s15], [sflag:$0x2] =	stream.linear.gather [hbm4b:s31+s3], $0x50, $0x38;
	[tilespmem:$0x16980] =	vst v63  }
0x2d: {  	_ =	swait.ge [sflag:s13], $0x50  }
0x2e: {  	[sflag:s13] =	ssyncset.done $0x0  }
0x2f: {  	[sflag:s13] =	ssyncadd.s32 $0xFFFFFFB0  }
0x30: {  	v2 =	vld [tilespmem:$0x138C0]  }
0x31: {  	v3 =	vld [tilespmem:$0x138A0]  }
0x32: {  	v4 =	vld [tilespmem:$0x138B0]  }
0x33: {  	v5 =	vld [tilespmem:$0x13890]  }
0x34: {  	v6 =	vld [tilespmem:$0x13880]  }
0x35: {  	v2 =	vadd.s32 v0, v2  }
0x36: {  	v3 =	vadd.s32 v0, v3;
	[tilespmem:$0x138C0] =	vst v2  }
0x37: {  	[tilespmem:$0x138A0] =	vst v3;
	v2 =	vadd.s32 v0, v4  }
0x38: {  	v3 =	vadd.s32 v0, v5;
	[tilespmem:$0x138B0] =	vst v2  }
0x39: {  	v2 =	vadd.s32 v0, v6;
	[tilespmem:$0x13890] =	vst v3  }
0x3a: {  	[tilespmem:$0x13880] =	vst v2  }
0x3b: {  	[tilespmem:s17], [sflag:$0x1] =	stream.indirect.gather [hbm4b:s4+s16], $0x80, s14, s16, $0xb8;
	[tilespmem:$0x16980] =	vst v63  }
0x3c: {  	_ =	swait.ge [sflag:s18], $0x2800  }
0x3d: {  	s20 =	simm.s32 $0xA;
	[sflag:s18] =	ssyncset.done $0x0  }
.LBB2_6:
0x3e: {  	p1 =	sne.s32 s20, $0x4D8  }
0x3f: {  	[sflag:s18] =	ssyncadd.s32 $0xFFFFD800;
	s21 =	smov.u32 s20;
	s20 =	sadd.s32 $0xA, s20  }
0x40: {  	[spmem:s1] =	stream.indirect.scatter.add.f32 [tilespmem:s17], [sflag:$0x2], $0x80, s15, s16, $0xb8;
	[tilespmem:$0x16980] =	vst v63  }
0x41: {  	_ =	swait.ge [sflag:s13], $0x2800  }
0x42: {  	[sflag:s13] =	ssyncset.done $0x0  }
0x43: {  	s22 =	sadd.s32 s21, s11;
	[sflag:s13] =	ssyncadd.s32 $0xFFFFD800  }
0x44: {  	[tilespmem:s14], [sflag:$0x2] =	stream.linear.gather [hbm4b:s22+s3], $0x50, $0x38;
	[tilespmem:$0x16980] =	vst v63  }
0x45: {  	_ =	swait.ge [sflag:s13], $0x50  }
0x46: {  	[sflag:s13] =	ssyncset.done $0x0  }
0x47: {  	s21 =	sadd.s32 s21, s10;
	[sflag:s13] =	ssyncadd.s32 $0xFFFFFFB0  }
0x48: {  	[tilespmem:s15], [sflag:$0x2] =	stream.linear.gather [hbm4b:s21+s3], $0x50, $0x38;
	[tilespmem:$0x16980] =	vst v63  }
0x49: {  	_ =	swait.ge [sflag:s13], $0x50  }
0x4a: {  	[sflag:s13] =	ssyncset.done $0x0  }
0x4b: {  	[sflag:s13] =	ssyncadd.s32 $0xFFFFFFB0  }
0x4c: {  	v2 =	vld [tilespmem:$0x138C0]  }
0x4d: {  	v3 =	vld [tilespmem:$0x138A0]  }
0x4e: {  	v4 =	vld [tilespmem:$0x138B0]  }
0x4f: {  	v5 =	vld [tilespmem:$0x13890]  }
0x50: {  	v6 =	vld [tilespmem:$0x13880]  }
0x51: {  	v2 =	vadd.s32 v0, v2  }
0x52: {  	v3 =	vadd.s32 v0, v3;
	[tilespmem:$0x138C0] =	vst v2  }
0x53: {  	[tilespmem:$0x138A0] =	vst v3;
	v2 =	vadd.s32 v0, v4  }
0x54: {  	v3 =	vadd.s32 v0, v5;
	[tilespmem:$0x138B0] =	vst v2  }
.Ltmp2:
0x55: {  	v2 =	vadd.s32 v0, v6;
	[tilespmem:$0x13890] =	vst v3;
	(pc) =	sbr.rel @p1 .LBB2_6-.Ltmp2, $4  }
0x56: {  	[tilespmem:$0x13880] =	vst v2  }
0x57: {  	[tilespmem:s17], [sflag:$0x1] =	stream.indirect.gather [hbm4b:s4+s16], $0x80, s14, s16, $0xb8;
	[tilespmem:$0x16980] =	vst v63  }
0x58: {  	_ =	swait.ge [sflag:s18], $0x2800  }
0x59: {  	[sflag:s18] =	ssyncset.done $0x0  }
0x5a: {  	[sflag:s18] =	ssyncadd.s32 $0xFFFFD800  }
0x5b: {  	[spmem:s1] =	stream.indirect.scatter.add.f32 [tilespmem:s17], [sflag:$0x2], $0x80, s15, s16, $0xb8;
	[tilespmem:$0x16980] =	vst v63  }
0x5c: {  	_ =	swait.ge [sflag:s13], $0x2800  }
0x5d: {  	[sflag:s13] =	ssyncset.done $0x0  }
0x5e: {  	s20 =	sshll.u32 s2, $0x6;
	[sflag:s13] =	ssyncadd.s32 $0xFFFFD800  }
0x5f: {  	s21 =	sshrl.u32 s5, $0x3;
	s20 =	sor.u32 $0x1C02, s20;
	[bflag:$0x0] =	sbarrier.arrive $0xFFFF  }
0x60: {  	[hbm:s7], [sflag:s20] =	dma.local [spmem:s21], $0x2700  }
0x61: {  	_ =	swait.ge [sflag:s13], $0x2700  }
0x62: {  	s19 =	sadd.s32 $0x1, s19;
	[sflag:s13] =	ssyncset.done $0x0  }
0x63: {  	p1 =	sne.s32 s19, s9;
	s21 =	sshrl.u32 @!p0 s6, $0x3;
	[sflag:s13] =	ssyncadd.s32 $0xFFFFD900  }
0x64: {  	[hbm:s8], [sflag:s20] =	dma.local @!p0 [spmem:s21], $0x100  }
.Ltmp3:
0x65: {  	_ = 	snop;
	(pc) =	sbr.rel @p1 .LBB2_1-.Ltmp3, $4  }
0x66: {  	s20 =	simm.s32 @!p0 $0x2  }
0x67: {  	_ =	swait.ge @!p0 [sflag:s20], $0x100  }
0x68: {  	[sflag:s20] =	ssyncset.done @!p0 $0x0  }
0x69: {  	[sflag:s20] =	ssyncadd.s32 @!p0 $0xFFFFFF00  }
0x6a: {  	_ =	sfence.sel $0x180000  }
0x6b: {  	[bflag:$0x0] =	sbarrier.arrive $0xFFFF  }
0x6c: {  	_ =	strace $0x90000050  }
0x6d: {  	s0 =	sadd.s32 @!p0 $0x100000, s0;
	[bflag:$0x2] =	sbarrier.arrive $0xFFFF  }
0x6e: {  	[sflag:s0] =	ssyncadd.tile.s32 @!p0 $0x1;
	_ =	shalt  }
.Lfunc_end2:
_tile_overlayer_lowered:
.L_overlay_start_2:
0x6f: {  	(tag) =	ssettag $0x2  }
0x70: {  	s0 =	rddreg [dreg:$0x0];
	s2 =	stileid.u32  }
0x71: {  	s1 =	rddreg [dreg:$0x1];
	p0 =	sne.s32 s2, $0x0  }
0x72: {  	s3 =	rddreg [dreg:$0x2];
	[bflag:$0x3] =	sbarrier.arrive $0xFFFF;
	s2 =	simm.s32 @!p0 $0x1C02  }
0x73: {  	[timem:s3], [sflag:s2] =	dma.local @!p0 [hbm:s0], s1  }
0x74: {  	s0 =	simm.s32 @!p0 $0x2  }
0x75: {  	_ =	swait.ge @!p0 [sflag:s0], s1  }
0x76: {  	s1 =	ssub.s32 @!p0 $0x0, s1;
	[sflag:s0] =	ssyncset.done @!p0 $0x0  }
0x77: {  	[sflag:s0] =	ssyncadd.s32 @!p0 s1  }
0x78: {  	[bflag:$0x3] =	sbarrier.arrive $0xFFFF  }
0x79: {  	_ =	shalt  }

// kernel: sc_segment_sum.5.cloned.1.call-start
scs
__scs_entry_jumppad:
0x0: {  	(pc) =	sbr.rel $0x88, $3  }
0x1: {  	(tag) =	ssettag $0x0;
	lr =	simm.s32 $0x1  }
0x2: {  	[smem:$0x3F92] =	sst lr;
	_ =	strace $0xD0000000  }
0x3: {  	_ = 	snop  }
0x4: {  	_ = 	snop  }
0x5: {  	_ = 	snop  }
0x6: {  	_ = 	snop  }
0x7: {  	_ = 	snop  }
__scs_overlays_trampoline_lowered:
0x8: {  	[smem:$0x3FA1] =	sst s0  }
0x9: {  	[smem:$0x3FA2] =	sst s1  }
0xa: {  	[smem:$0x3FA3] =	sst s2  }
0xb: {  	[smem:$0x3FA4] =	sst s3  }
0xc: {  	[smem:$0x3FA5] =	sst s4  }
0xd: {  	[smem:$0x3FA6] =	sst s5  }
0xe: {  	[smem:$0x3FA7] =	sst s6  }
0xf: {  	[smem:$0x3FA8] =	sst s7  }
0x10: {  	[smem:$0x3FA9] =	sst s8  }
0x11: {  	[smem:$0x3FAA] =	sst s9;
	s0 =	simm.s32 @!p0 $0x0  }
0x12: {  	s1 =	sld [smem:$0x3F90];
	s0 =	simm.s32 @p0 $0x1  }
0x13: {  	[smem:$0x3FAB] =	sst s0;
	s0 =	simm.s32 @!p1 $0x0  }
0x14: {  	s2 =	sld [smem:$0x3F8F];
	s0 =	simm.s32 @p1 $0x1  }
0x15: {  	[smem:$0x3FAC] =	sst s0;
	s0 =	simm.s32 @!p2 $0x0  }
0x16: {  	s3 =	sld [smem:$0x3FDB];
	s0 =	simm.s32 @p2 $0x1  }
0x17: {  	s4 =	simm.s32 $0x1BF5;
	[smem:$0x3FAE] =	sst s0  }
0x18: {  	s0 =	sld [smem:$0x3F91];
	_ =	swait.ge [sflag:s4], $0x0  }
0x19: {  	s7 =	sld [smem:$0x3F92]  }
0x1a: {  	s8 =	sadd.s32 $0xFFFFE003, lr  }
0x1b: {  	s9 =	sadd.s32 $0xFFFFFEF7, lr;
	s5 =	simm.s32 $0xFFFFFFFF;
	p2 =	slt.u32 s8, $0xFFFFF086  }
0x1c: {  	p1 =	slt.u32 s9, $0xF7A;
	s5 =	simm.s32 @!p2 $0x0  }
0x1d: {  	s5 =	simm.s32 @p1 $0x1;
	p0 =	seq.s32 s7, s2  }
0x1e: {  	s7 =	smul.u32 @!p0 $0xF7A, s2;
	p2 =	seq.s32 @!p0 s5, $0x0  }
0x1f: {  	s9 =	smul.u32 $0xF7A, s1;
	s8 =	simm.s32 @!p0 $0x1BF5;
	p2 =	por !p2, p0  }
0x20: {  	[sflag:s8] =	ssyncset.s32 @!p0 $0xFFFFF086;
	s6 =	sadd.s32 @!p0 s3, s7;
	s7 =	simm.s32 @!p0 $0x108  }
0x21: {  	s3 =	sadd.s32 s3, s9;
	s6 =	sadd.s32 @!p0 $0x88, s6;
	s7 =	simm.s32 @p2 $0x1082  }
0x22: {  	[simem:s7], [sflag:s8] =	dma.local @!p0 [hbm:s6], $0xF7A  }
0x23: {  	s9 =	sor.u32 $0xD0000000, s2;
	s6 =	simm.s32 $0x108;
	_ =	swait.ge @!p0 [sflag:s8], $0x0  }
0x24: {  	s3 =	sadd.s32 $0x88, s3;
	s6 =	simm.s32 @!p1 $0x1082;
	[sflag:s4] =	ssyncset.s32 $0xFFFFF086  }
0x25: {  	[simem:s6], [sflag:s4] =	dma.local [hbm:s3], $0xF7A  }
0x26: {  	[smem:$0x3F92] =	sst s1;
	(tag) =	ssettag s2;
	_ =	strace s9  }
0x27: {  	s1 =	sld [smem:$0x3FA2]  }
0x28: {  	s2 =	sld [smem:$0x3FA3]  }
0x29: {  	s4 =	sld [smem:$0x3FA5]  }
0x2a: {  	p0 =	seq.s32 s5, $0x0;
	s5 =	sld [smem:$0x3FA6]  }
0x2b: {  	s6 =	sld [smem:$0x3FA7]  }
0x2c: {  	s7 =	sld [smem:$0x3FA8]  }
0x2d: {  	s3 =	simm.s32 $0x108;
	s8 =	sld [smem:$0x3FA9]  }
0x2e: {  	s3 =	simm.s32 @!p0 $0x1082;
	s9 =	sld [smem:$0x3FAA]  }
0x2f: {  	lr =	sadd.s32 s0, s3;
	s0 =	sld [smem:$0x3FA1]  }
0x30: {  	s3 =	sld [smem:$0x3FA4]  }
0x31: {  	[smem:$0x3FAD] =	sst s10  }
0x32: {  	s10 =	sld [smem:$0x3FAB];
	_ =	sdelay $0x3  }
0x33: {  	p0 =	seq.s32 s10, $0x1;
	s10 =	sld [smem:$0x3FAD];
	_ =	sdelay $0x3  }
0x34: {  	[smem:$0x3FAD] =	sst s10  }
0x35: {  	s10 =	sld [smem:$0x3FAC];
	_ =	sdelay $0x3  }
0x36: {  	p1 =	seq.s32 s10, $0x1;
	s10 =	sld [smem:$0x3FAD];
	_ =	sdelay $0x3  }
0x37: {  	[smem:$0x3FAD] =	sst s10  }
0x38: {  	s10 =	sld [smem:$0x3FAE]  }
0x39: {  	_ = 	snop;
	(pc) =	sbr.ind lr, $3  }
0x3a: {  	_ = 	snop  }
0x3b: {  	_ = 	snop  }
0x3c: {  	p2 =	seq.s32 s10, $0x1;
	s10 =	sld [smem:$0x3FAD]  }
0x3d: {  	_ =	shalt  }
0x3e: {  	_ =	shalt  }
0x3f: {  	_ =	shalt  }
0x40: {  	_ =	shalt  }
0x41: {  	_ =	shalt  }
0x42: {  	_ =	shalt  }
0x43: {  	_ =	shalt  }
0x44: {  	_ =	shalt  }
0x45: {  	_ =	shalt  }
0x46: {  	_ =	shalt  }
0x47: {  	_ =	shalt  }
0x48: {  	_ =	shalt  }
0x49: {  	_ =	shalt  }
0x4a: {  	_ =	shalt  }
0x4b: {  	_ =	shalt  }
0x4c: {  	_ =	shalt  }
0x4d: {  	_ =	shalt  }
0x4e: {  	_ =	shalt  }
0x4f: {  	_ =	shalt  }
0x50: {  	_ =	shalt  }
0x51: {  	_ =	shalt  }
0x52: {  	_ =	shalt  }
0x53: {  	_ =	shalt  }
0x54: {  	_ =	shalt  }
0x55: {  	_ =	shalt  }
0x56: {  	_ =	shalt  }
0x57: {  	_ =	shalt  }
0x58: {  	_ =	shalt  }
0x59: {  	_ =	shalt  }
0x5a: {  	_ =	shalt  }
0x5b: {  	_ =	shalt  }
0x5c: {  	_ =	shalt  }
0x5d: {  	_ =	shalt  }
0x5e: {  	_ =	shalt  }
0x5f: {  	_ =	shalt  }
0x60: {  	_ =	shalt  }
0x61: {  	_ =	shalt  }
0x62: {  	_ =	shalt  }
0x63: {  	_ =	shalt  }
0x64: {  	_ =	shalt  }
0x65: {  	_ =	shalt  }
0x66: {  	_ =	shalt  }
0x67: {  	_ =	shalt  }
0x68: {  	_ =	shalt  }
0x69: {  	_ =	shalt  }
0x6a: {  	_ =	shalt  }
0x6b: {  	_ =	shalt  }
0x6c: {  	_ =	shalt  }
0x6d: {  	_ =	shalt  }
0x6e: {  	_ =	shalt  }
0x6f: {  	_ =	shalt  }
0x70: {  	_ =	shalt  }
0x71: {  	_ =	shalt  }
0x72: {  	_ =	shalt  }
0x73: {  	_ =	shalt  }
0x74: {  	_ =	shalt  }
0x75: {  	_ =	shalt  }
0x76: {  	_ =	shalt  }
0x77: {  	_ =	shalt  }
0x78: {  	_ =	shalt  }
0x79: {  	_ =	shalt  }
0x7a: {  	_ =	shalt  }
0x7b: {  	_ =	shalt  }
0x7c: {  	_ =	shalt  }
0x7d: {  	_ =	shalt  }
0x7e: {  	_ =	shalt  }
0x7f: {  	_ =	shalt  }
0x80: {  	_ =	shalt  }
0x81: {  	_ =	shalt  }
0x82: {  	_ =	shalt  }
0x83: {  	_ =	shalt  }
0x84: {  	_ =	shalt  }
0x85: {  	_ =	shalt  }
0x86: {  	_ =	shalt  }
0x87: {  	_ =	shalt  }
.Lfunc_end0:
.L_simem_size_0:
called_computation.1_lowered:
.L_overlay_start_0:
0x88: {  	s2 =	sld [smem:$0x3FD9]  }
0x89: {  	s3 =	sld [smem:$0x3FFE];
	_ =	sdelay $0x1  }
0x8a: {  	s1 =	srdreg.scid  }
0x8b: {  	s0 =	sand.u32 $0x1, s1  }
0x8c: {  	s14 =	sshll.u32 s0, $0xA;
	s2 =	sadd.s32 s3, s2  }
0x8d: {  	s2 =	sadd.s32 s2, s14  }
0x8e: {  	[smem:$0x3FB9] =	sst s2  }
0x8f: {  	_ = 	snop  }
0x90: {  	s2 =	sld [smem:$0x3FD0];
	_ =	sdelay $0x2  }
0x91: {  	s15 =	simm.s32 $0xB;
	s4 =	simm.s32 $0x10  }
0x92: {  	[smem:s4], [sflag:s15] =	dma.local [hbm:s2], $0x1  }
0x93: {  	_ =	swait.eq [sflag:s15], $0x1  }
0x94: {  	[sflag:s15] =	ssyncset.done $0x0  }
0x95: {  	[sflag:s15] =	ssyncadd.s32 $0xFFFFFFFF  }
0x96: {  	s16 =	sld [smem:$0x10];
	(tm) =	ssettm $0x1  }
0x97: {  	s17 =	sld [smem:$0x3FFB];
	_ =	sdelay $0x3  }
0x98: {  	_ =	strace s17  }
0x99: {  	s3 =	sld [smem:$0x3FFC];
	_ =	sdelay $0x3  }
0x9a: {  	_ =	strace s3  }
0x9b: {  	s3 =	sld [smem:$0x3FFD];
	_ =	sdelay $0x3  }
0x9c: {  	_ =	strace s3  }
0x9d: {  	_ =	strace $0x8FFFFFFF  }
0x9e: {  	s18 =	sld [smem:$0x3FDB];
	_ =	sdelay $0x1  }
0x9f: {  	s19 =	simm.s32 $_scs_section_size  }
0xa0: {  	s5 =	simm.s32 $_size__tile_overlayer_lowered;
	s6 =	simm.s32 $_tile_overlayer_lowered  }
0xa1: {  	s22 =	simm.s32 $0x1BFF;
	s21 =	sshll.u32 s6, $0x1;
	s3 =	sadd.s32 s19, s18  }
0xa2: {  	s7 =	simm.s32 $0x0;
	s20 =	sshll.u32 s5, $0x1;
	s5 =	sadd.s32 s21, s3  }
0xa3: {  	[timem:s7], [sflag:s22] =	dma.local [hbm:s5], s20  }
0xa4: {  	_ =	swait.ge [sflag:s22], s20  }
0xa5: {  	s4 =	ssub.s32 $0x0, s20;
	[sflag:s22] =	ssyncset.done $0x0  }
0xa6: {  	[sflag:s22] =	ssyncadd.s32 s4;
	_ =	sdelay $0x1  }
0xa7: {  	s23 =	simm.s32 $0x1B8B  }
0xa8: {  	_ =	swait.ge [sflag:s23], $0x1  }
0xa9: {  	[sflag:s23] =	ssyncset.done $0x0  }
0xaa: {  	s25 =	simm.s32 $0x1B8E;
	s24 =	sld [smem:$0x3FFE];
	[sflag:s23] =	ssyncadd.s32 $0xFFFFFFFF  }
0xab: {  	s26 =	simm.s32 $execute0_lowered;
	[smem:$0x3FD2] =	sst s25  }
0xac: {  	s5 =	sshll.u32 s26, $0x1;
	_ =	strace $0x80000046;
	[dreg:$0x1] =	wrdreg $0xFFFFFFFF  }
0xad: {  	s28 =	simm.s32 $_size_execute0_lowered;
	s3 =	sadd.s32 s3, s5;
	[dreg:$0x0] =	wrdreg $0x0  }
0xae: {  	s5 =	sshll.u32 s28, $0x1;
	[dreg:$0x2] =	wrdreg s3  }
0xaf: {  	[dreg:$0x3] =	wrdreg s5  }
0xb0: {  	[dreg:$0x4] =	wrdreg $0xC0  }
0xb1: {  	_ =	task [dreg:s7], $0x5FFFF  }
0xb2: {  	[dreg:$0x1] =	wrdreg $0xFFFFFFFF  }
0xb3: {  	[dreg:$0x0] =	wrdreg $0x60  }
0xb4: {  	[dreg:$0x2] =	wrdreg s24  }
0xb5: {  	[dreg:$0x3] =	wrdreg s16  }
0xb6: {  	[dreg:$0x4] =	wrdreg $0x0  }
0xb7: {  	[dreg:$0x5] =	wrdreg $0xA  }
0xb8: {  	_ =	task.clear_ibuf [dreg:s7], $0x6FFFF;
	_ =	strace $0x90000046  }
0xb9: {  	s29 =	simm.s32 $0xA;
	_ =	strace $0x80000048  }
0xba: {  	_ =	swait.ge [sflag:s29], $0x1  }
0xbb: {  	[sflag:s29] =	ssyncadd.s32 $0xFFFFFFFF  }
0xbc: {  	_ =	strace $0x90000048  }
0xbd: {  	_ =	sfence  }
0xbe: {  	s30 =	sld [smem:$0x0];
	_ =	sdelay $0x2  }
0xbf: {  	s31 =	sshll.u32 s1, $0xD;
	s1 =	sshrl.u32 s1, $0x2  }
0xc0: {  	s3 =	sand.u32 $0x4000, s31;
	s1 =	sadd.s32 s1, s30  }
0xc1: {  	s0 =	sor.u32 s3, s0;
	s1 =	sshll.u32 s1, $0x11  }
0xc2: {  	s0 =	sor.u32 s1, s0  }
0xc3: {  	s0 =	sadd.s32 $0x8F2B, s0  }
0xc4: {  	[sflag:s0] =	ssyncadd.remote.s32 $0x1  }
0xc5: {  	_ =	sfence.sel $0xFFFF  }
0xc6: {  	[dreg:$0x0] =	wrdreg $0xFFFFFFFF;
	(pc) =	sbr.abs _section_cstart, $3  }
0xc7: {  	[dreg:$0x1] =	wrdreg $0xFFFFFFFF  }
0xc8: {  	_ =	task.clear_ibuf [dreg:s7], $0x2FFFF;
	_ =	strace $0x9FFFFFFF  }
0xc9: {  	(tm) =	ssettm $0x7FFFFFFF  }
tec
execute0_lowered:
.L_overlay_start_1:
0x0: {  	(tag) =	ssettag $0x1  }
0x1: {  	s5 =	rddreg [dreg:$0x0]  }
0x2: {  	s10 =	rddreg [dreg:$0x1]  }
0x3: {  	s1 =	rddreg [dreg:$0x2]  }
0x4: {  	s2 =	stileid.u32;
	s0 =	rddreg [dreg:$0x3];
	s3 =	simm.s32 $0x0  }
0x5: {  	s4 =	srdreg.scid;
	s15 =	simm.s32 $0x13900;
	s16 =	simm.s32 $0x50  }
0x6: {  	s18 =	simm.s32 $0x1;
	s19 =	simm.s32 $0x0;
	s11 =	smul.u32 $0x4E2, s2  }
0x7: {  	s6 =	smul.u32 $0x270, s2;
	[smem:$0x7FF] =	sst s3;
	s7 =	sand.u32 $0x1, s4  }
0x8: {  	s8 =	smul.u32 $0x4E000, s2;
	s4 =	sadd.s32 $0x8400, s5;
	s14 =	sadd.s32 $0x56600, s5  }
0x9: {  	p0 =	sne.s32 s2, $0x0;
	s9 =	ssub.s32 $0x2, s7;
	s17 =	smul.u32 $0x2710, s7  }
0xa: {  	_ =	strace $0x80000047;
	s7 =	smul.u32 $0x138800, s7;
	s12 =	sshrl.u32 s9, $0x1  }
0xb: {  	s13 =	sadd.s32 s11, s5;
	s29 =	sshrl.u32 s8, $0x2;
	s10 =	sadd.s32 s11, s10  }
0xc: {  	s9 =	ssub.s32 s9, s12;
	s6 =	sadd.s32 s6, s17;
	s7 =	sshrl.u32 s7, $0x3  }
0xd: {  	s5 =	sadd.s32 s29, s1;
	s11 =	sadd.s32 $0x3400, s13;
	s12 =	simm.s32 $0x16180  }
0xe: {  	s13 =	simm.s32 $0x2;
	v0 =	vmov s17;
	s17 =	simm.s32 $0x13980;
	s30 =	sshll.u32 s6, $0x4  }
0xf: {  	s31 =	sadd.s32 s14, s7;
	s6 =	sadd.s32 $0x138000, s1;
	s9 =	smax.u32 s9, $0x1  }
0x10: {  	v1 =	vimm.f32 $0.0e+00;
	s7 =	sadd.s32 s14, s30;
	s8 =	sadd.s32 $0x27000, s31;
	s14 =	simm.s32 $0x13880  }
.LBB2_1:
0x11: {  	s20 =	simm.s32 $0x0;
	s21 =	simm.s32 $0x0  }
.LBB2_2:
0x12: {  	p1 =	sne.s32 s21, $0x1FC0  }
.Ltmp0:
0x13: {  	_ = 	snop;
	(pc) =	sbr.rel @p1 .LBB2_2-.Ltmp0, $4  }
0x14: {  	s22 =	sand.u32 $0x1E00, s21  }
0x15: {  	s23 =	sand.u32 $0x70, s20;
	s22 =	sshrl.u32 s22, $0x2  }
0x16: {  	s22 =	sor.u32 s23, s22  }
0x17: {  	s20 =	sadd.s32 $0x10, s20;
	s21 =	sadd.s32 $0x40, s21;
	[tilespmem:s22+$0x16180] =	vst v1  }
0x18: {  	s20 =	sadd.s32 $0x0, s5  }
0x19: {  	[spmem:s20] =	stream.linear.scatter [tilespmem:s12], [sflag:$0x2], $0x800, $0x38;
	[tilespmem:$0x16980] =	vst v63  }
0x1a: {  	s20 =	simm.s32 $0x2000;
	_ =	swait.ge [sflag:s13], $0x800  }
.LBB2_4:
0x1b: {  	s21 =	sshra.s32 s20, $0x2;
	[sflag:s13] =	ssyncset.done $0x0;
	p1 =	sne.s32 s20, $0x4C000  }
.Ltmp1:
0x1c: {  	s21 =	sadd.s32 s21, s5;
	[sflag:s13] =	ssyncadd.s32 $0xFFFFF800;
	(pc) =	sbr.rel @p1 .LBB2_4-.Ltmp1, $3  }
0x1d: {  	[spmem:s21] =	stream.linear.scatter [tilespmem:s12], [sflag:$0x2], $0x800, $0x38;
	[tilespmem:$0x16980] =	vst v63  }
0x1e: {  	s20 =	sadd.s32 $0x2000, s20;
	_ =	sdelay $0x1  }
0x1f: {  	_ =	swait.ge [sflag:s13], $0x800  }
0x20: {  	[sflag:s13] =	ssyncset.done $0x0  }
0x21: {  	s20 =	simm.s32 @!p0 $0x16180;
	[sflag:s13] =	ssyncadd.s32 $0xFFFFF800  }
0x22: {  	[spmem:s6] =	stream.linear.scatter @!p0 [tilespmem:s20], [sflag:$0x2], $0x800, $0x38;
	[tilespmem:$0x16980] =	vst v63  }
0x23: {  	s20 =	simm.s32 @!p0 $0x2  }
0x24: {  	_ =	swait.ge @!p0 [sflag:s20], $0x800  }
0x25: {  	[sflag:s20] =	ssyncset.done @!p0 $0x0  }
0x26: {  	[sflag:s20] =	ssyncadd.s32 @!p0 $0xFFFFF800  }
0x27: {  	s30 =	sadd.s32 $0x0, s11;
	[bflag:$0x0] =	sbarrier.arrive $0xFFFF  }
0x28: {  	[tilespmem:s14], [sflag:$0x2] =	stream.linear.gather [hbm4b:s30+s3], $0x50, $0x38;
	[tilespmem:$0x16980] =	vst v63  }
0x29: {  	_ =	swait.ge [sflag:s13], $0x50  }
0x2a: {  	[sflag:s13] =	ssyncset.done $0x0  }
0x2b: {  	s31 =	sadd.s32 $0x0, s10;
	[sflag:s13] =	ssyncadd.s32 $0xFFFFFFB0  }
0x2c: {  	[tilespmem:s15], [sflag:$0x2] =	stream.linear.gather [hbm4b:s31+s3], $0x50, $0x38;
	[tilespmem:$0x16980] =	vst v63  }
0x2d: {  	_ =	swait.ge [sflag:s13], $0x50  }
0x2e: {  	[sflag:s13] =	ssyncset.done $0x0  }
0x2f: {  	[sflag:s13] =	ssyncadd.s32 $0xFFFFFFB0  }
0x30: {  	v2 =	vld [tilespmem:$0x138C0]  }
0x31: {  	v3 =	vld [tilespmem:$0x138A0]  }
0x32: {  	v4 =	vld [tilespmem:$0x138B0]  }
0x33: {  	v5 =	vld [tilespmem:$0x13890]  }
0x34: {  	v6 =	vld [tilespmem:$0x13880]  }
0x35: {  	v2 =	vadd.s32 v0, v2  }
0x36: {  	v3 =	vadd.s32 v0, v3;
	[tilespmem:$0x138C0] =	vst v2  }
0x37: {  	[tilespmem:$0x138A0] =	vst v3;
	v2 =	vadd.s32 v0, v4  }
0x38: {  	v3 =	vadd.s32 v0, v5;
	[tilespmem:$0x138B0] =	vst v2  }
0x39: {  	v2 =	vadd.s32 v0, v6;
	[tilespmem:$0x13890] =	vst v3  }
0x3a: {  	[tilespmem:$0x13880] =	vst v2  }
0x3b: {  	[tilespmem:s17], [sflag:$0x1] =	stream.indirect.gather [hbm4b:s4+s16], $0x80, s14, s16, $0xb8;
	[tilespmem:$0x16980] =	vst v63  }
0x3c: {  	_ =	swait.ge [sflag:s18], $0x2800  }
0x3d: {  	s20 =	simm.s32 $0xA;
	[sflag:s18] =	ssyncset.done $0x0  }
.LBB2_6:
0x3e: {  	p1 =	sne.s32 s20, $0x4D8  }
0x3f: {  	[sflag:s18] =	ssyncadd.s32 $0xFFFFD800;
	s21 =	smov.u32 s20;
	s20 =	sadd.s32 $0xA, s20  }
0x40: {  	[spmem:s1] =	stream.indirect.scatter.add.f32 [tilespmem:s17], [sflag:$0x2], $0x80, s15, s16, $0xb8;
	[tilespmem:$0x16980] =	vst v63  }
0x41: {  	_ =	swait.ge [sflag:s13], $0x2800  }
0x42: {  	[sflag:s13] =	ssyncset.done $0x0  }
0x43: {  	s22 =	sadd.s32 s21, s11;
	[sflag:s13] =	ssyncadd.s32 $0xFFFFD800  }
0x44: {  	[tilespmem:s14], [sflag:$0x2] =	stream.linear.gather [hbm4b:s22+s3], $0x50, $0x38;
	[tilespmem:$0x16980] =	vst v63  }
0x45: {  	_ =	swait.ge [sflag:s13], $0x50  }
0x46: {  	[sflag:s13] =	ssyncset.done $0x0  }
0x47: {  	s21 =	sadd.s32 s21, s10;
	[sflag:s13] =	ssyncadd.s32 $0xFFFFFFB0  }
0x48: {  	[tilespmem:s15], [sflag:$0x2] =	stream.linear.gather [hbm4b:s21+s3], $0x50, $0x38;
	[tilespmem:$0x16980] =	vst v63  }
0x49: {  	_ =	swait.ge [sflag:s13], $0x50  }
0x4a: {  	[sflag:s13] =	ssyncset.done $0x0  }
0x4b: {  	[sflag:s13] =	ssyncadd.s32 $0xFFFFFFB0  }
0x4c: {  	v2 =	vld [tilespmem:$0x138C0]  }
0x4d: {  	v3 =	vld [tilespmem:$0x138A0]  }
0x4e: {  	v4 =	vld [tilespmem:$0x138B0]  }
0x4f: {  	v5 =	vld [tilespmem:$0x13890]  }
0x50: {  	v6 =	vld [tilespmem:$0x13880]  }
0x51: {  	v2 =	vadd.s32 v0, v2  }
0x52: {  	v3 =	vadd.s32 v0, v3;
	[tilespmem:$0x138C0] =	vst v2  }
0x53: {  	[tilespmem:$0x138A0] =	vst v3;
	v2 =	vadd.s32 v0, v4  }
0x54: {  	v3 =	vadd.s32 v0, v5;
	[tilespmem:$0x138B0] =	vst v2  }
.Ltmp2:
0x55: {  	v2 =	vadd.s32 v0, v6;
	[tilespmem:$0x13890] =	vst v3;
	(pc) =	sbr.rel @p1 .LBB2_6-.Ltmp2, $4  }
0x56: {  	[tilespmem:$0x13880] =	vst v2  }
0x57: {  	[tilespmem:s17], [sflag:$0x1] =	stream.indirect.gather [hbm4b:s4+s16], $0x80, s14, s16, $0xb8;
	[tilespmem:$0x16980] =	vst v63  }
0x58: {  	_ =	swait.ge [sflag:s18], $0x2800  }
0x59: {  	[sflag:s18] =	ssyncset.done $0x0  }
0x5a: {  	[sflag:s18] =	ssyncadd.s32 $0xFFFFD800  }
0x5b: {  	[spmem:s1] =	stream.indirect.scatter.add.f32 [tilespmem:s17], [sflag:$0x2], $0x80, s15, s16, $0xb8;
	[tilespmem:$0x16980] =	vst v63  }
0x5c: {  	_ =	swait.ge [sflag:s13], $0x2800  }
0x5d: {  	[sflag:s13] =	ssyncset.done $0x0  }
0x5e: {  	s20 =	sshll.u32 s2, $0x6;
	[sflag:s13] =	ssyncadd.s32 $0xFFFFD800  }
0x5f: {  	s21 =	sshrl.u32 s5, $0x3;
	s20 =	sor.u32 $0x1C02, s20;
	[bflag:$0x0] =	sbarrier.arrive $0xFFFF  }
0x60: {  	[hbm:s7], [sflag:s20] =	dma.local [spmem:s21], $0x2700  }
0x61: {  	_ =	swait.ge [sflag:s13], $0x2700  }
0x62: {  	s19 =	sadd.s32 $0x1, s19;
	[sflag:s13] =	ssyncset.done $0x0  }
0x63: {  	p1 =	sne.s32 s19, s9;
	s21 =	sshrl.u32 @!p0 s6, $0x3;
	[sflag:s13] =	ssyncadd.s32 $0xFFFFD900  }
0x64: {  	[hbm:s8], [sflag:s20] =	dma.local @!p0 [spmem:s21], $0x100  }
.Ltmp3:
0x65: {  	_ = 	snop;
	(pc) =	sbr.rel @p1 .LBB2_1-.Ltmp3, $4  }
0x66: {  	s20 =	simm.s32 @!p0 $0x2  }
0x67: {  	_ =	swait.ge @!p0 [sflag:s20], $0x100  }
0x68: {  	[sflag:s20] =	ssyncset.done @!p0 $0x0  }
0x69: {  	[sflag:s20] =	ssyncadd.s32 @!p0 $0xFFFFFF00  }
0x6a: {  	_ =	sfence.sel $0x180000  }
0x6b: {  	[bflag:$0x0] =	sbarrier.arrive $0xFFFF  }
0x6c: {  	_ =	strace $0x90000047  }
0x6d: {  	s0 =	sadd.s32 @!p0 $0x100000, s0;
	[bflag:$0x2] =	sbarrier.arrive $0xFFFF  }
0x6e: {  	[sflag:s0] =	ssyncadd.tile.s32 @!p0 $0x1;
	_ =	shalt  }
.Lfunc_end2:
_tile_overlayer_lowered:
.L_overlay_start_2:
0x6f: {  	(tag) =	ssettag $0x2  }
0x70: {  	s0 =	rddreg [dreg:$0x0];
	s2 =	stileid.u32  }
0x71: {  	s1 =	rddreg [dreg:$0x1];
	p0 =	sne.s32 s2, $0x0  }
0x72: {  	s3 =	rddreg [dreg:$0x2];
	[bflag:$0x3] =	sbarrier.arrive $0xFFFF;
	s2 =	simm.s32 @!p0 $0x1C02  }
0x73: {  	[timem:s3], [sflag:s2] =	dma.local @!p0 [hbm:s0], s1  }
0x74: {  	s0 =	simm.s32 @!p0 $0x2  }
0x75: {  	_ =	swait.ge @!p0 [sflag:s0], s1  }
0x76: {  	s1 =	ssub.s32 @!p0 $0x0, s1;
	[sflag:s0] =	ssyncset.done @!p0 $0x0  }
0x77: {  	[sflag:s0] =	ssyncadd.s32 @!p0 s1  }
0x78: {  	[bflag:$0x3] =	sbarrier.arrive $0xFFFF  }
0x79: {  	_ =	shalt  }

// kernel: sc_segment_sum.8.cloned.1.call-start
scs
__scs_entry_jumppad:
0x0: {  	(pc) =	sbr.rel $0x88, $3  }
0x1: {  	(tag) =	ssettag $0x0;
	lr =	simm.s32 $0x1  }
0x2: {  	[smem:$0x3F92] =	sst lr;
	_ =	strace $0xD0000000  }
0x3: {  	_ = 	snop  }
0x4: {  	_ = 	snop  }
0x5: {  	_ = 	snop  }
0x6: {  	_ = 	snop  }
0x7: {  	_ = 	snop  }
__scs_overlays_trampoline_lowered:
0x8: {  	[smem:$0x3FA1] =	sst s0  }
0x9: {  	[smem:$0x3FA2] =	sst s1  }
0xa: {  	[smem:$0x3FA3] =	sst s2  }
0xb: {  	[smem:$0x3FA4] =	sst s3  }
0xc: {  	[smem:$0x3FA5] =	sst s4  }
0xd: {  	[smem:$0x3FA6] =	sst s5  }
0xe: {  	[smem:$0x3FA7] =	sst s6  }
0xf: {  	[smem:$0x3FA8] =	sst s7  }
0x10: {  	[smem:$0x3FA9] =	sst s8  }
0x11: {  	[smem:$0x3FAA] =	sst s9;
	s0 =	simm.s32 @!p0 $0x0  }
0x12: {  	s1 =	sld [smem:$0x3F90];
	s0 =	simm.s32 @p0 $0x1  }
0x13: {  	[smem:$0x3FAB] =	sst s0;
	s0 =	simm.s32 @!p1 $0x0  }
0x14: {  	s2 =	sld [smem:$0x3F8F];
	s0 =	simm.s32 @p1 $0x1  }
0x15: {  	[smem:$0x3FAC] =	sst s0;
	s0 =	simm.s32 @!p2 $0x0  }
0x16: {  	s3 =	sld [smem:$0x3FDB];
	s0 =	simm.s32 @p2 $0x1  }
0x17: {  	s4 =	simm.s32 $0x1BF5;
	[smem:$0x3FAE] =	sst s0  }
0x18: {  	s0 =	sld [smem:$0x3F91];
	_ =	swait.ge [sflag:s4], $0x0  }
0x19: {  	s7 =	sld [smem:$0x3F92]  }
0x1a: {  	s8 =	sadd.s32 $0xFFFFE003, lr  }
0x1b: {  	s9 =	sadd.s32 $0xFFFFFEF7, lr;
	s5 =	simm.s32 $0xFFFFFFFF;
	p2 =	slt.u32 s8, $0xFFFFF086  }
0x1c: {  	p1 =	slt.u32 s9, $0xF7A;
	s5 =	simm.s32 @!p2 $0x0  }
0x1d: {  	s5 =	simm.s32 @p1 $0x1;
	p0 =	seq.s32 s7, s2  }
0x1e: {  	s7 =	smul.u32 @!p0 $0xF7A, s2;
	p2 =	seq.s32 @!p0 s5, $0x0  }
0x1f: {  	s9 =	smul.u32 $0xF7A, s1;
	s8 =	simm.s32 @!p0 $0x1BF5;
	p2 =	por !p2, p0  }
0x20: {  	[sflag:s8] =	ssyncset.s32 @!p0 $0xFFFFF086;
	s6 =	sadd.s32 @!p0 s3, s7;
	s7 =	simm.s32 @!p0 $0x108  }
0x21: {  	s3 =	sadd.s32 s3, s9;
	s6 =	sadd.s32 @!p0 $0x88, s6;
	s7 =	simm.s32 @p2 $0x1082  }
0x22: {  	[simem:s7], [sflag:s8] =	dma.local @!p0 [hbm:s6], $0xF7A  }
0x23: {  	s9 =	sor.u32 $0xD0000000, s2;
	s6 =	simm.s32 $0x108;
	_ =	swait.ge @!p0 [sflag:s8], $0x0  }
0x24: {  	s3 =	sadd.s32 $0x88, s3;
	s6 =	simm.s32 @!p1 $0x1082;
	[sflag:s4] =	ssyncset.s32 $0xFFFFF086  }
0x25: {  	[simem:s6], [sflag:s4] =	dma.local [hbm:s3], $0xF7A  }
0x26: {  	[smem:$0x3F92] =	sst s1;
	(tag) =	ssettag s2;
	_ =	strace s9  }
0x27: {  	s1 =	sld [smem:$0x3FA2]  }
0x28: {  	s2 =	sld [smem:$0x3FA3]  }
0x29: {  	s4 =	sld [smem:$0x3FA5]  }
0x2a: {  	p0 =	seq.s32 s5, $0x0;
	s5 =	sld [smem:$0x3FA6]  }
0x2b: {  	s6 =	sld [smem:$0x3FA7]  }
0x2c: {  	s7 =	sld [smem:$0x3FA8]  }
0x2d: {  	s3 =	simm.s32 $0x108;
	s8 =	sld [smem:$0x3FA9]  }
0x2e: {  	s3 =	simm.s32 @!p0 $0x1082;
	s9 =	sld [smem:$0x3FAA]  }
0x2f: {  	lr =	sadd.s32 s0, s3;
	s0 =	sld [smem:$0x3FA1]  }
0x30: {  	s3 =	sld [smem:$0x3FA4]  }
0x31: {  	[smem:$0x3FAD] =	sst s10  }
0x32: {  	s10 =	sld [smem:$0x3FAB];
	_ =	sdelay $0x3  }
0x33: {  	p0 =	seq.s32 s10, $0x1;
	s10 =	sld [smem:$0x3FAD];
	_ =	sdelay $0x3  }
0x34: {  	[smem:$0x3FAD] =	sst s10  }
0x35: {  	s10 =	sld [smem:$0x3FAC];
	_ =	sdelay $0x3  }
0x36: {  	p1 =	seq.s32 s10, $0x1;
	s10 =	sld [smem:$0x3FAD];
	_ =	sdelay $0x3  }
0x37: {  	[smem:$0x3FAD] =	sst s10  }
0x38: {  	s10 =	sld [smem:$0x3FAE]  }
0x39: {  	_ = 	snop;
	(pc) =	sbr.ind lr, $3  }
0x3a: {  	_ = 	snop  }
0x3b: {  	_ = 	snop  }
0x3c: {  	p2 =	seq.s32 s10, $0x1;
	s10 =	sld [smem:$0x3FAD]  }
0x3d: {  	_ =	shalt  }
0x3e: {  	_ =	shalt  }
0x3f: {  	_ =	shalt  }
0x40: {  	_ =	shalt  }
0x41: {  	_ =	shalt  }
0x42: {  	_ =	shalt  }
0x43: {  	_ =	shalt  }
0x44: {  	_ =	shalt  }
0x45: {  	_ =	shalt  }
0x46: {  	_ =	shalt  }
0x47: {  	_ =	shalt  }
0x48: {  	_ =	shalt  }
0x49: {  	_ =	shalt  }
0x4a: {  	_ =	shalt  }
0x4b: {  	_ =	shalt  }
0x4c: {  	_ =	shalt  }
0x4d: {  	_ =	shalt  }
0x4e: {  	_ =	shalt  }
0x4f: {  	_ =	shalt  }
0x50: {  	_ =	shalt  }
0x51: {  	_ =	shalt  }
0x52: {  	_ =	shalt  }
0x53: {  	_ =	shalt  }
0x54: {  	_ =	shalt  }
0x55: {  	_ =	shalt  }
0x56: {  	_ =	shalt  }
0x57: {  	_ =	shalt  }
0x58: {  	_ =	shalt  }
0x59: {  	_ =	shalt  }
0x5a: {  	_ =	shalt  }
0x5b: {  	_ =	shalt  }
0x5c: {  	_ =	shalt  }
0x5d: {  	_ =	shalt  }
0x5e: {  	_ =	shalt  }
0x5f: {  	_ =	shalt  }
0x60: {  	_ =	shalt  }
0x61: {  	_ =	shalt  }
0x62: {  	_ =	shalt  }
0x63: {  	_ =	shalt  }
0x64: {  	_ =	shalt  }
0x65: {  	_ =	shalt  }
0x66: {  	_ =	shalt  }
0x67: {  	_ =	shalt  }
0x68: {  	_ =	shalt  }
0x69: {  	_ =	shalt  }
0x6a: {  	_ =	shalt  }
0x6b: {  	_ =	shalt  }
0x6c: {  	_ =	shalt  }
0x6d: {  	_ =	shalt  }
0x6e: {  	_ =	shalt  }
0x6f: {  	_ =	shalt  }
0x70: {  	_ =	shalt  }
0x71: {  	_ =	shalt  }
0x72: {  	_ =	shalt  }
0x73: {  	_ =	shalt  }
0x74: {  	_ =	shalt  }
0x75: {  	_ =	shalt  }
0x76: {  	_ =	shalt  }
0x77: {  	_ =	shalt  }
0x78: {  	_ =	shalt  }
0x79: {  	_ =	shalt  }
0x7a: {  	_ =	shalt  }
0x7b: {  	_ =	shalt  }
0x7c: {  	_ =	shalt  }
0x7d: {  	_ =	shalt  }
0x7e: {  	_ =	shalt  }
0x7f: {  	_ =	shalt  }
0x80: {  	_ =	shalt  }
0x81: {  	_ =	shalt  }
0x82: {  	_ =	shalt  }
0x83: {  	_ =	shalt  }
0x84: {  	_ =	shalt  }
0x85: {  	_ =	shalt  }
0x86: {  	_ =	shalt  }
0x87: {  	_ =	shalt  }
.Lfunc_end0:
.L_simem_size_0:
called_computation.2_lowered:
.L_overlay_start_0:
0x88: {  	s2 =	sld [smem:$0x3FD9]  }
0x89: {  	s3 =	sld [smem:$0x3FFE];
	_ =	sdelay $0x1  }
0x8a: {  	s1 =	srdreg.scid  }
0x8b: {  	s0 =	sand.u32 $0x1, s1  }
0x8c: {  	s14 =	sshll.u32 s0, $0xA;
	s2 =	sadd.s32 s3, s2  }
0x8d: {  	s2 =	sadd.s32 s2, s14  }
0x8e: {  	[smem:$0x3FB9] =	sst s2  }
0x8f: {  	_ = 	snop  }
0x90: {  	s2 =	sld [smem:$0x3FD0];
	_ =	sdelay $0x2  }
0x91: {  	s15 =	simm.s32 $0xB;
	s4 =	simm.s32 $0x10  }
0x92: {  	[smem:s4], [sflag:s15] =	dma.local [hbm:s2], $0x1  }
0x93: {  	_ =	swait.eq [sflag:s15], $0x1  }
0x94: {  	[sflag:s15] =	ssyncset.done $0x0  }
0x95: {  	[sflag:s15] =	ssyncadd.s32 $0xFFFFFFFF  }
0x96: {  	s16 =	sld [smem:$0x10];
	(tm) =	ssettm $0x1  }
0x97: {  	s17 =	sld [smem:$0x3FFB];
	_ =	sdelay $0x3  }
0x98: {  	_ =	strace s17  }
0x99: {  	s3 =	sld [smem:$0x3FFC];
	_ =	sdelay $0x3  }
0x9a: {  	_ =	strace s3  }
0x9b: {  	s3 =	sld [smem:$0x3FFD];
	_ =	sdelay $0x3  }
0x9c: {  	_ =	strace s3  }
0x9d: {  	_ =	strace $0x8FFFFFFF  }
0x9e: {  	s18 =	sld [smem:$0x3FDB];
	_ =	sdelay $0x1  }
0x9f: {  	s19 =	simm.s32 $_scs_section_size  }
0xa0: {  	s5 =	simm.s32 $_size__tile_overlayer_lowered;
	s6 =	simm.s32 $_tile_overlayer_lowered  }
0xa1: {  	s22 =	simm.s32 $0x1BFF;
	s21 =	sshll.u32 s6, $0x1;
	s3 =	sadd.s32 s19, s18  }
0xa2: {  	s7 =	simm.s32 $0x0;
	s20 =	sshll.u32 s5, $0x1;
	s5 =	sadd.s32 s21, s3  }
0xa3: {  	[timem:s7], [sflag:s22] =	dma.local [hbm:s5], s20  }
0xa4: {  	_ =	swait.ge [sflag:s22], s20  }
0xa5: {  	s4 =	ssub.s32 $0x0, s20;
	[sflag:s22] =	ssyncset.done $0x0  }
0xa6: {  	[sflag:s22] =	ssyncadd.s32 s4;
	_ =	sdelay $0x1  }
0xa7: {  	s23 =	simm.s32 $0x1B8B  }
0xa8: {  	_ =	swait.ge [sflag:s23], $0x1  }
0xa9: {  	[sflag:s23] =	ssyncset.done $0x0  }
0xaa: {  	s25 =	simm.s32 $0x1B8E;
	s24 =	sld [smem:$0x3FFE];
	[sflag:s23] =	ssyncadd.s32 $0xFFFFFFFF  }
0xab: {  	s26 =	simm.s32 $execute0_lowered;
	[smem:$0x3FD2] =	sst s25  }
0xac: {  	s5 =	sshll.u32 s26, $0x1;
	_ =	strace $0x8000004C;
	[dreg:$0x1] =	wrdreg $0xFFFFFFFF  }
0xad: {  	s28 =	simm.s32 $_size_execute0_lowered;
	s3 =	sadd.s32 s3, s5;
	[dreg:$0x0] =	wrdreg $0x0  }
0xae: {  	s5 =	sshll.u32 s28, $0x1;
	[dreg:$0x2] =	wrdreg s3  }
0xaf: {  	[dreg:$0x3] =	wrdreg s5  }
0xb0: {  	[dreg:$0x4] =	wrdreg $0xC0  }
0xb1: {  	_ =	task [dreg:s7], $0x5FFFF  }
0xb2: {  	[dreg:$0x1] =	wrdreg $0xFFFFFFFF  }
0xb3: {  	[dreg:$0x0] =	wrdreg $0x60  }
0xb4: {  	[dreg:$0x2] =	wrdreg s24  }
0xb5: {  	[dreg:$0x3] =	wrdreg s16  }
0xb6: {  	[dreg:$0x4] =	wrdreg $0x0  }
0xb7: {  	[dreg:$0x5] =	wrdreg $0x9  }
0xb8: {  	_ =	task.clear_ibuf [dreg:s7], $0x6FFFF;
	_ =	strace $0x9000004C  }
0xb9: {  	s29 =	simm.s32 $0x9;
	_ =	strace $0x8000004E  }
0xba: {  	_ =	swait.ge [sflag:s29], $0x1  }
0xbb: {  	[sflag:s29] =	ssyncadd.s32 $0xFFFFFFFF  }
0xbc: {  	_ =	strace $0x9000004E  }
0xbd: {  	_ =	sfence  }
0xbe: {  	s30 =	sld [smem:$0x0];
	_ =	sdelay $0x2  }
0xbf: {  	s31 =	sshll.u32 s1, $0xD;
	s1 =	sshrl.u32 s1, $0x2  }
0xc0: {  	s3 =	sand.u32 $0x4000, s31;
	s1 =	sadd.s32 s1, s30  }
0xc1: {  	s0 =	sor.u32 s3, s0;
	s1 =	sshll.u32 s1, $0x11  }
0xc2: {  	s0 =	sor.u32 s1, s0  }
0xc3: {  	s0 =	sadd.s32 $0x8F2B, s0  }
0xc4: {  	[sflag:s0] =	ssyncadd.remote.s32 $0x1  }
0xc5: {  	_ =	sfence.sel $0xFFFF  }
0xc6: {  	[dreg:$0x0] =	wrdreg $0xFFFFFFFF;
	(pc) =	sbr.abs _section_cstart, $3  }
0xc7: {  	[dreg:$0x1] =	wrdreg $0xFFFFFFFF  }
0xc8: {  	_ =	task.clear_ibuf [dreg:s7], $0x2FFFF;
	_ =	strace $0x9FFFFFFF  }
0xc9: {  	(tm) =	ssettm $0x7FFFFFFF  }
tec
execute0_lowered:
.L_overlay_start_1:
0x0: {  	(tag) =	ssettag $0x1  }
0x1: {  	s5 =	rddreg [dreg:$0x0]  }
0x2: {  	s10 =	rddreg [dreg:$0x1]  }
0x3: {  	s1 =	rddreg [dreg:$0x2]  }
0x4: {  	s2 =	stileid.u32;
	s0 =	rddreg [dreg:$0x3];
	s3 =	simm.s32 $0x0  }
0x5: {  	s4 =	srdreg.scid;
	s15 =	simm.s32 $0x13900;
	s16 =	simm.s32 $0x50  }
0x6: {  	s18 =	simm.s32 $0x1;
	s19 =	simm.s32 $0x0;
	s11 =	smul.u32 $0x4E2, s2  }
0x7: {  	s6 =	smul.u32 $0x270, s2;
	[smem:$0x7FF] =	sst s3;
	s7 =	sand.u32 $0x1, s4  }
0x8: {  	s8 =	smul.u32 $0x4E000, s2;
	s4 =	sadd.s32 $0x8400, s5;
	s14 =	sadd.s32 $0x56600, s5  }
0x9: {  	p0 =	sne.s32 s2, $0x0;
	s9 =	ssub.s32 $0x2, s7;
	s17 =	smul.u32 $0x2710, s7  }
0xa: {  	_ =	strace $0x8000004D;
	s7 =	smul.u32 $0x138800, s7;
	s12 =	sshrl.u32 s9, $0x1  }
0xb: {  	s13 =	sadd.s32 s11, s5;
	s29 =	sshrl.u32 s8, $0x2;
	s10 =	sadd.s32 s11, s10  }
0xc: {  	s9 =	ssub.s32 s9, s12;
	s6 =	sadd.s32 s6, s17;
	s7 =	sshrl.u32 s7, $0x3  }
0xd: {  	s5 =	sadd.s32 s29, s1;
	s11 =	sadd.s32 $0x3400, s13;
	s12 =	simm.s32 $0x16180  }
0xe: {  	s13 =	simm.s32 $0x2;
	v0 =	vmov s17;
	s17 =	simm.s32 $0x13980;
	s30 =	sshll.u32 s6, $0x4  }
0xf: {  	s31 =	sadd.s32 s14, s7;
	s6 =	sadd.s32 $0x138000, s1;
	s9 =	smax.u32 s9, $0x1  }
0x10: {  	v1 =	vimm.f32 $0.0e+00;
	s7 =	sadd.s32 s14, s30;
	s8 =	sadd.s32 $0x27000, s31;
	s14 =	simm.s32 $0x13880  }
.LBB2_1:
0x11: {  	s20 =	simm.s32 $0x0;
	s21 =	simm.s32 $0x0  }
.LBB2_2:
0x12: {  	p1 =	sne.s32 s21, $0x1FC0  }
.Ltmp0:
0x13: {  	_ = 	snop;
	(pc) =	sbr.rel @p1 .LBB2_2-.Ltmp0, $4  }
0x14: {  	s22 =	sand.u32 $0x1E00, s21  }
0x15: {  	s23 =	sand.u32 $0x70, s20;
	s22 =	sshrl.u32 s22, $0x2  }
0x16: {  	s22 =	sor.u32 s23, s22  }
0x17: {  	s20 =	sadd.s32 $0x10, s20;
	s21 =	sadd.s32 $0x40, s21;
	[tilespmem:s22+$0x16180] =	vst v1  }
0x18: {  	s20 =	sadd.s32 $0x0, s5  }
0x19: {  	[spmem:s20] =	stream.linear.scatter [tilespmem:s12], [sflag:$0x2], $0x800, $0x38;
	[tilespmem:$0x16980] =	vst v63  }
0x1a: {  	s20 =	simm.s32 $0x2000;
	_ =	swait.ge [sflag:s13], $0x800  }
.LBB2_4:
0x1b: {  	s21 =	sshra.s32 s20, $0x2;
	[sflag:s13] =	ssyncset.done $0x0;
	p1 =	sne.s32 s20, $0x4C000  }
.Ltmp1:
0x1c: {  	s21 =	sadd.s32 s21, s5;
	[sflag:s13] =	ssyncadd.s32 $0xFFFFF800;
	(pc) =	sbr.rel @p1 .LBB2_4-.Ltmp1, $3  }
0x1d: {  	[spmem:s21] =	stream.linear.scatter [tilespmem:s12], [sflag:$0x2], $0x800, $0x38;
	[tilespmem:$0x16980] =	vst v63  }
0x1e: {  	s20 =	sadd.s32 $0x2000, s20;
	_ =	sdelay $0x1  }
0x1f: {  	_ =	swait.ge [sflag:s13], $0x800  }
0x20: {  	[sflag:s13] =	ssyncset.done $0x0  }
0x21: {  	s20 =	simm.s32 @!p0 $0x16180;
	[sflag:s13] =	ssyncadd.s32 $0xFFFFF800  }
0x22: {  	[spmem:s6] =	stream.linear.scatter @!p0 [tilespmem:s20], [sflag:$0x2], $0x800, $0x38;
	[tilespmem:$0x16980] =	vst v63  }
0x23: {  	s20 =	simm.s32 @!p0 $0x2  }
0x24: {  	_ =	swait.ge @!p0 [sflag:s20], $0x800  }
0x25: {  	[sflag:s20] =	ssyncset.done @!p0 $0x0  }
0x26: {  	[sflag:s20] =	ssyncadd.s32 @!p0 $0xFFFFF800  }
0x27: {  	s30 =	sadd.s32 $0x0, s11;
	[bflag:$0x0] =	sbarrier.arrive $0xFFFF  }
0x28: {  	[tilespmem:s14], [sflag:$0x2] =	stream.linear.gather [hbm4b:s30+s3], $0x50, $0x38;
	[tilespmem:$0x16980] =	vst v63  }
0x29: {  	_ =	swait.ge [sflag:s13], $0x50  }
0x2a: {  	[sflag:s13] =	ssyncset.done $0x0  }
0x2b: {  	s31 =	sadd.s32 $0x0, s10;
	[sflag:s13] =	ssyncadd.s32 $0xFFFFFFB0  }
0x2c: {  	[tilespmem:s15], [sflag:$0x2] =	stream.linear.gather [hbm4b:s31+s3], $0x50, $0x38;
	[tilespmem:$0x16980] =	vst v63  }
0x2d: {  	_ =	swait.ge [sflag:s13], $0x50  }
0x2e: {  	[sflag:s13] =	ssyncset.done $0x0  }
0x2f: {  	[sflag:s13] =	ssyncadd.s32 $0xFFFFFFB0  }
0x30: {  	v2 =	vld [tilespmem:$0x138C0]  }
0x31: {  	v3 =	vld [tilespmem:$0x138A0]  }
0x32: {  	v4 =	vld [tilespmem:$0x138B0]  }
0x33: {  	v5 =	vld [tilespmem:$0x13890]  }
0x34: {  	v6 =	vld [tilespmem:$0x13880]  }
0x35: {  	v2 =	vadd.s32 v0, v2  }
0x36: {  	v3 =	vadd.s32 v0, v3;
	[tilespmem:$0x138C0] =	vst v2  }
0x37: {  	[tilespmem:$0x138A0] =	vst v3;
	v2 =	vadd.s32 v0, v4  }
0x38: {  	v3 =	vadd.s32 v0, v5;
	[tilespmem:$0x138B0] =	vst v2  }
0x39: {  	v2 =	vadd.s32 v0, v6;
	[tilespmem:$0x13890] =	vst v3  }
0x3a: {  	[tilespmem:$0x13880] =	vst v2  }
0x3b: {  	[tilespmem:s17], [sflag:$0x1] =	stream.indirect.gather [hbm4b:s4+s16], $0x80, s14, s16, $0xb8;
	[tilespmem:$0x16980] =	vst v63  }
0x3c: {  	_ =	swait.ge [sflag:s18], $0x2800  }
0x3d: {  	s20 =	simm.s32 $0xA;
	[sflag:s18] =	ssyncset.done $0x0  }
.LBB2_6:
0x3e: {  	p1 =	sne.s32 s20, $0x4D8  }
0x3f: {  	[sflag:s18] =	ssyncadd.s32 $0xFFFFD800;
	s21 =	smov.u32 s20;
	s20 =	sadd.s32 $0xA, s20  }
0x40: {  	[spmem:s1] =	stream.indirect.scatter.add.f32 [tilespmem:s17], [sflag:$0x2], $0x80, s15, s16, $0xb8;
	[tilespmem:$0x16980] =	vst v63  }
0x41: {  	_ =	swait.ge [sflag:s13], $0x2800  }
0x42: {  	[sflag:s13] =	ssyncset.done $0x0  }
0x43: {  	s22 =	sadd.s32 s21, s11;
	[sflag:s13] =	ssyncadd.s32 $0xFFFFD800  }
0x44: {  	[tilespmem:s14], [sflag:$0x2] =	stream.linear.gather [hbm4b:s22+s3], $0x50, $0x38;
	[tilespmem:$0x16980] =	vst v63  }
0x45: {  	_ =	swait.ge [sflag:s13], $0x50  }
0x46: {  	[sflag:s13] =	ssyncset.done $0x0  }
0x47: {  	s21 =	sadd.s32 s21, s10;
	[sflag:s13] =	ssyncadd.s32 $0xFFFFFFB0  }
0x48: {  	[tilespmem:s15], [sflag:$0x2] =	stream.linear.gather [hbm4b:s21+s3], $0x50, $0x38;
	[tilespmem:$0x16980] =	vst v63  }
0x49: {  	_ =	swait.ge [sflag:s13], $0x50  }
0x4a: {  	[sflag:s13] =	ssyncset.done $0x0  }
0x4b: {  	[sflag:s13] =	ssyncadd.s32 $0xFFFFFFB0  }
0x4c: {  	v2 =	vld [tilespmem:$0x138C0]  }
0x4d: {  	v3 =	vld [tilespmem:$0x138A0]  }
0x4e: {  	v4 =	vld [tilespmem:$0x138B0]  }
0x4f: {  	v5 =	vld [tilespmem:$0x13890]  }
0x50: {  	v6 =	vld [tilespmem:$0x13880]  }
0x51: {  	v2 =	vadd.s32 v0, v2  }
0x52: {  	v3 =	vadd.s32 v0, v3;
	[tilespmem:$0x138C0] =	vst v2  }
0x53: {  	[tilespmem:$0x138A0] =	vst v3;
	v2 =	vadd.s32 v0, v4  }
0x54: {  	v3 =	vadd.s32 v0, v5;
	[tilespmem:$0x138B0] =	vst v2  }
.Ltmp2:
0x55: {  	v2 =	vadd.s32 v0, v6;
	[tilespmem:$0x13890] =	vst v3;
	(pc) =	sbr.rel @p1 .LBB2_6-.Ltmp2, $4  }
0x56: {  	[tilespmem:$0x13880] =	vst v2  }
0x57: {  	[tilespmem:s17], [sflag:$0x1] =	stream.indirect.gather [hbm4b:s4+s16], $0x80, s14, s16, $0xb8;
	[tilespmem:$0x16980] =	vst v63  }
0x58: {  	_ =	swait.ge [sflag:s18], $0x2800  }
0x59: {  	[sflag:s18] =	ssyncset.done $0x0  }
0x5a: {  	[sflag:s18] =	ssyncadd.s32 $0xFFFFD800  }
0x5b: {  	[spmem:s1] =	stream.indirect.scatter.add.f32 [tilespmem:s17], [sflag:$0x2], $0x80, s15, s16, $0xb8;
	[tilespmem:$0x16980] =	vst v63  }
0x5c: {  	_ =	swait.ge [sflag:s13], $0x2800  }
0x5d: {  	[sflag:s13] =	ssyncset.done $0x0  }
0x5e: {  	s20 =	sshll.u32 s2, $0x6;
	[sflag:s13] =	ssyncadd.s32 $0xFFFFD800  }
0x5f: {  	s21 =	sshrl.u32 s5, $0x3;
	s20 =	sor.u32 $0x1C02, s20;
	[bflag:$0x0] =	sbarrier.arrive $0xFFFF  }
0x60: {  	[hbm:s7], [sflag:s20] =	dma.local [spmem:s21], $0x2700  }
0x61: {  	_ =	swait.ge [sflag:s13], $0x2700  }
0x62: {  	s19 =	sadd.s32 $0x1, s19;
	[sflag:s13] =	ssyncset.done $0x0  }
0x63: {  	p1 =	sne.s32 s19, s9;
	s21 =	sshrl.u32 @!p0 s6, $0x3;
	[sflag:s13] =	ssyncadd.s32 $0xFFFFD900  }
0x64: {  	[hbm:s8], [sflag:s20] =	dma.local @!p0 [spmem:s21], $0x100  }
.Ltmp3:
0x65: {  	_ = 	snop;
	(pc) =	sbr.rel @p1 .LBB2_1-.Ltmp3, $4  }
0x66: {  	s20 =	simm.s32 @!p0 $0x2  }
0x67: {  	_ =	swait.ge @!p0 [sflag:s20], $0x100  }
0x68: {  	[sflag:s20] =	ssyncset.done @!p0 $0x0  }
0x69: {  	[sflag:s20] =	ssyncadd.s32 @!p0 $0xFFFFFF00  }
0x6a: {  	_ =	sfence.sel $0x180000  }
0x6b: {  	[bflag:$0x0] =	sbarrier.arrive $0xFFFF  }
0x6c: {  	_ =	strace $0x9000004D  }
0x6d: {  	s0 =	sadd.s32 @!p0 $0x100000, s0;
	[bflag:$0x2] =	sbarrier.arrive $0xFFFF  }
0x6e: {  	[sflag:s0] =	ssyncadd.tile.s32 @!p0 $0x1;
	_ =	shalt  }
.Lfunc_end2:
_tile_overlayer_lowered:
.L_overlay_start_2:
0x6f: {  	(tag) =	ssettag $0x2  }
0x70: {  	s0 =	rddreg [dreg:$0x0];
	s2 =	stileid.u32  }
0x71: {  	s1 =	rddreg [dreg:$0x1];
	p0 =	sne.s32 s2, $0x0  }
0x72: {  	s3 =	rddreg [dreg:$0x2];
	[bflag:$0x3] =	sbarrier.arrive $0xFFFF;
	s2 =	simm.s32 @!p0 $0x1C02  }
0x73: {  	[timem:s3], [sflag:s2] =	dma.local @!p0 [hbm:s0], s1  }
0x74: {  	s0 =	simm.s32 @!p0 $0x2  }
0x75: {  	_ =	swait.ge @!p0 [sflag:s0], s1  }
0x76: {  	s1 =	ssub.s32 @!p0 $0x0, s1;
	[sflag:s0] =	ssyncset.done @!p0 $0x0  }
0x77: {  	[sflag:s0] =	ssyncadd.s32 @!p0 s1  }
0x78: {  	[bflag:$0x3] =	sbarrier.arrive $0xFFFF  }
0x79: {  	_ =	shalt  }

</sc_bundles>
